<compile_context>
chip_gen: v7x
topology: tpu7x:2x2x1
jax: 0.10.2.dev20260603
libtpu: 0.0.44.dev20260713+nightly
codegen_flags: <defaults>
</compile_context>

<pallas_src>
import functools

import jax
import jax.numpy as jnp
from jax import lax
from jax.experimental import pallas as pl
from jax.experimental.pallas import tpu as pltpu
from jax.experimental.pallas import tpu_sc as plsc

_TV_WEIGHT = 0.1
_NEG_CLAMP = -100.0



def _sc_point_gather(y_rows, pts_t):
    _, B, N = pts_t.shape
    total = B * N
    n_workers = 32
    npw = total // n_workers
    groups = npw // 16
    W = y_rows.shape[1]

    mesh = plsc.VectorSubcoreMesh(core_axis_name="c", subcore_axis_name="s")

    @functools.partial(
        pl.kernel,
        mesh=mesh,
        out_type=jax.ShapeDtypeStruct((total,), jnp.float32),
        scratch_types=[
            pltpu.VMEM((B, N), jnp.int32),
            pltpu.VMEM((B, N), jnp.int32),
            pltpu.VMEM((npw,), jnp.int32),
            pltpu.VMEM((npw,), jnp.int32),
            pltpu.VMEM((npw, W), jnp.float32),
            pltpu.VMEM((npw,), jnp.float32),
            pltpu.SemaphoreType.DMA,
        ],
        compiler_params=pltpu.CompilerParams(needs_layout_passes=False),
    )
    def k(y_hbm, pts_hbm, out_hbm, xp_v, yp_v, x_v, row_v, rows_v, g_v, sem):
        wid = lax.axis_index("s") * 2 + lax.axis_index("c")
        base = wid * npw
        b = base // N
        n0 = base - b * N
        cpa = pltpu.async_copy(pts_hbm.at[0], xp_v, sem)
        cpb = pltpu.async_copy(pts_hbm.at[1], yp_v, sem)
        cpa.wait()
        cpb.wait()
        bvec = jnp.full((16,), 0, jnp.int32) + b
        for g in range(groups):
            nvec = lax.iota(jnp.int32, 16) + (n0 + g * 16)
            xs = plsc.load_gather(xp_v, [bvec, nvec])
            ys = plsc.load_gather(yp_v, [bvec, nvec])
            x_v[pl.ds(g * 16, 16)] = jnp.minimum(jnp.maximum(xs, 0), W - 1)
            ys = jnp.minimum(jnp.maximum(ys, 0), 511)
            row_v[pl.ds(g * 16, 16)] = b * 512 + ys
        pltpu.async_copy(y_hbm.at[row_v], rows_v, sem).wait()
        for g in range(groups):
            rid = lax.iota(jnp.int32, 16) + g * 16
            xs = x_v[pl.ds(g * 16, 16)]
            g_v[pl.ds(g * 16, 16)] = plsc.load_gather(rows_v, [rid, xs])
        pltpu.sync_copy(g_v, out_hbm.at[pl.ds(base, npw)])

    return k(y_rows, pts_t)



def _tv_body(y0_ref, y1_ref, y2_ref, y3_ref, out_ref):
    i = pl.program_id(0)
    total = jnp.float32(0.0)
    for r in (y0_ref, y1_ref, y2_ref, y3_ref):
        x = r[0]
        p = 1.0 / (1.0 + jnp.exp(-x))
        dh = jnp.sum(jnp.abs(p[:, 1:] - p[:, :-1]))
        dv = jnp.sum(jnp.abs(p[1:, :] - p[:-1, :]))
        total = total + (dh + dv)

    @pl.when(i == 0)
    def _():
        out_ref[...] = jnp.zeros_like(out_ref)

    out_ref[...] += total


def _tc_tv_sum(y3d):
    B, H, W = y3d.shape
    specs = [
        pl.BlockSpec((1, H, W), functools.partial(lambda k, i: (i * 4 + k, 0, 0), k))
        for k in range(4)
    ]
    return pl.pallas_call(
        _tv_body,
        grid=(B // 4,),
        in_specs=specs,
        out_specs=pl.BlockSpec((1, 1), lambda i: (0, 0)),
        out_shape=jax.ShapeDtypeStruct((1, 1), jnp.float32),
    )(y3d, y3d, y3d, y3d)



def _combine_body(tv_ref, g_ref, lab_ref, out_ref):
    g = g_ref[...].reshape(lab_ref.shape)
    lab = lab_ref[...]
    p = 1.0 / (1.0 + jnp.exp(-g))
    log_p = jnp.maximum(jnp.log(p), _NEG_CLAMP)
    log_1mp = jnp.maximum(jnp.log(1.0 - p), _NEG_CLAMP)
    bce = -(lab * log_p + (1.0 - lab) * log_1mp)
    bce_mean = jnp.sum(bce) / (lab.shape[0] * lab.shape[1])
    out_ref[0, 0] = bce_mean + _TV_WEIGHT * tv_ref[0, 0] / lab.shape[0]


def _tc_combine(tv, gathered, labels):
    return pl.pallas_call(
        _combine_body,
        in_specs=[
            pl.BlockSpec(memory_space=pltpu.VMEM),
            pl.BlockSpec(memory_space=pltpu.VMEM),
            pl.BlockSpec(memory_space=pltpu.VMEM),
        ],
        out_specs=pl.BlockSpec(memory_space=pltpu.SMEM),
        out_shape=jax.ShapeDtypeStruct((1, 1), jnp.float32),
    )(tv, gathered, labels)


def kernel(y_pred, labels, points_xy):
    B, _, H, W = y_pred.shape
    N = labels.shape[1]
    y3d = y_pred.reshape(B, H, W)
    y_rows = y_pred.reshape(B * H, W)
    pts_t = jnp.transpose(points_xy.astype(jnp.int32), (2, 0, 1))

    gathered = _sc_point_gather(y_rows, pts_t)
    tv = _tc_tv_sum(y3d)
    out = _tc_combine(tv, gathered, labels)
    return out[0, 0]

# --- scband reference (transcript-rebuilt; emitter-appended) ---
"""Pipeline reference for scband-weak-point-bceloss-10711648436761 (READ-ONLY COPY).

The authoritative reference and input builder live on the scoring server;
editing this copy changes nothing except your own understanding.
"""

import jax, jax.numpy as jnp
import numpy as np

TV_WEIGHT = 0.1

def setup_inputs(seed: int = 0) -> dict:
    key = jax.random.key(seed)
    k1, k2, k3 = jax.random.split(key, 3)
    y_pred = jax.random.normal(k1, (8, 1, 512, 512), dtype=jnp.float32)
    points_xy = jax.random.randint(k2, (8, 512, 2), 0, 512, dtype=jnp.int64)
    labels = jax.random.uniform(k3, (8, 512), dtype=jnp.float32)
    return {"y_pred": y_pred, "labels": labels, "points_xy": points_xy}

def reference(y_pred, labels, points_xy):
    B, _, H, W = y_pred.shape
    y_prob = jax.nn.sigmoid(y_pred)
    xs = jnp.clip(points_xy[:, :, 0], 0, W - 1)
    ys = jnp.clip(points_xy[:, :, 1], 0, H - 1)
    b_idx = jnp.arange(B)[:, None]
    preds = y_prob[b_idx, 0, ys, xs]  # (B, N) gather
    eps_log_p = jnp.maximum(jnp.log(preds), -100.0)
    eps_log_1mp = jnp.maximum(jnp.log(1.0 - preds), -100.0)
    bce = -(labels * eps_log_p + (1.0 - labels) * eps_log_1mp)
    per_batch_loss = jnp.mean(bce, axis=1)  # mean over points per image
    total_loss = jnp.mean(per_batch_loss)   # sum over batches / count (all nonempty)
    diff_h = jnp.abs(y_prob[:, :, :, 1:] - y_prob[:, :, :, :-1])
    diff_v = jnp.abs(y_prob[:, :, 1:, :] - y_prob[:, :, :-1, :])
    tv_loss = (jnp.sum(diff_h) + jnp.sum(diff_v)) / B
    total_loss = total_loss + TV_WEIGHT * tv_loss
    return total_loss

if __name__ == "__main__":
    import jax
    _d = setup_inputs()
    print(jax.jit(kernel)(*tuple(_d.values())))

</pallas_src>

<mosaic_0001>
#map = affine_map<(d0, d1) -> (0, 0)>
#map1 = affine_map<(d0, d1) -> (0, 0, 0)>
#map2 = affine_map<(d0, d1) -> (0)>
module attributes {stable_mosaic.version = 14 : i64} {
  func.func @k(%arg0: i32, %arg1: i32, %arg2: memref<4096x512xf32, #tpu.memory_space<hbm>>, %arg3: memref<2x8x512xi32, #tpu.memory_space<hbm>>, %arg4: memref<4096xf32, #tpu.memory_space<hbm>>, %arg5: memref<8x512xi32, #tpu.memory_space<vmem>>, %arg6: memref<8x512xi32, #tpu.memory_space<vmem>>, %arg7: memref<128xi32, #tpu.memory_space<vmem>>, %arg8: memref<128xi32, #tpu.memory_space<vmem>>, %arg9: memref<128x512xf32, #tpu.memory_space<vmem>>, %arg10: memref<128xf32, #tpu.memory_space<vmem>>, %arg11: memref<!tpu.dma_semaphore, #tpu.memory_space<semaphore_mem>>) attributes {dimension_semantics = [#tpu.dimension_semantics<core_parallel>, #tpu.dimension_semantics<subcore_parallel>], iteration_bounds = array<i64: 2, 16>, scalar_prefetch = 0 : i64, scratch_operands = 7 : i64, tpu.core_type = #tpu.core_type<sc_vector_subcore>, window_params = [{transform_indices = #map}, {transform_indices = #map1}, {transform_indices = #map2}]} {
    %mul3A = arith.constant 2 : i32
    %mul3A_0 = arith.muli %arg1, %mul3A : i32
    %add3A = arith.addi %mul3A_0, %arg0 : i32
    %mul3A_1 = arith.constant 128 : i32
    %mul3A_2 = arith.muli %add3A, %mul3A_1 : i32
    %jit3A = arith.constant 512 : i32
    %div3A = arith.divsi %mul3A_2, %jit3A : i32
    %sign3A = arith.constant 0 : i32
    %sign3A_3 = arith.cmpi sgt, %mul3A_2, %sign3A : i32
    %sign3A_4 = arith.extui %sign3A_3 : i1 to i32
    %sign3A_5 = arith.constant 0 : i32
    %sign3A_6 = arith.cmpi slt, %mul3A_2, %sign3A_5 : i32
    %sign3A_7 = arith.extui %sign3A_6 : i1 to i32
    %sign3A_8 = arith.subi %sign3A_4, %sign3A_7 : i32
    %sign3A_9 = arith.constant 0 : i32
    %sign3A_10 = arith.cmpi sgt, %jit3A, %sign3A_9 : i32
    %sign3A_11 = arith.extui %sign3A_10 : i1 to i32
    %sign3A_12 = arith.constant 0 : i32
    %sign3A_13 = arith.cmpi slt, %jit3A, %sign3A_12 : i32
    %sign3A_14 = arith.extui %sign3A_13 : i1 to i32
    %sign3A_15 = arith.subi %sign3A_11, %sign3A_14 : i32
    %ne3A = arith.cmpi ne, %sign3A_8, %sign3A_15 : i32
    %rem3A = arith.remsi %mul3A_2, %jit3A : i32
    %ne3A_16 = arith.constant 0 : i32
    %ne3A_17 = arith.cmpi ne, %rem3A, %ne3A_16 : i32
    %and3A = arith.andi %ne3A, %ne3A_17 : i1
    %sub3A = arith.constant 1 : i32
    %sub3A_18 = arith.subi %div3A, %sub3A : i32
    %select_n3A = arith.select %and3A, %sub3A_18, %div3A : i32
    %mul3A_19 = arith.constant 512 : i32
    %mul3A_20 = arith.muli %select_n3A, %mul3A_19 : i32
    %sub3A_21 = arith.subi %mul3A_2, %mul3A_20 : i32
    %dma_start3A = arith.constant 0 : i32
    %dma_start3A_22 = arith.constant 0 : i32
    %dma_start3A_23 = arith.constant 0 : i32
    %dma_start3A_24 = tpu.memref_slice %arg3[%dma_start3A, %dma_start3A_22, %dma_start3A_23] : memref<2x8x512xi32, #tpu.memory_space<hbm>> -> memref<1x8x512xi32, #tpu.memory_space<hbm>>
    %dma_start3A_25 = tpu.memref_squeeze %dma_start3A_24 : memref<1x8x512xi32, #tpu.memory_space<hbm>> -> memref<8x512xi32, #tpu.memory_space<hbm>>
    %dma_start3A_26 = arith.constant 0 : i32
    %dma_start3A_27 = arith.constant 0 : i32
    %dma_start3A_28 = tpu.memref_slice %arg3[%dma_start3A, %dma_start3A_26, %dma_start3A_27] : memref<2x8x512xi32, #tpu.memory_space<hbm>> -> memref<1x8x512xi32, #tpu.memory_space<hbm>>
    %dma_start3A_29 = tpu.memref_squeeze %dma_start3A_28 : memref<1x8x512xi32, #tpu.memory_space<hbm>> -> memref<8x512xi32, #tpu.memory_space<hbm>>
    tpu.enqueue_dma source(%dma_start3A_29 : memref<8x512xi32, #tpu.memory_space<hbm>>) target(%arg5 : memref<8x512xi32, #tpu.memory_space<vmem>>) target_semaphore(%arg11 : memref<!tpu.dma_semaphore, #tpu.memory_space<semaphore_mem>>)
    %dma_start3A_30 = arith.constant 1 : i32
    %dma_start3A_31 = arith.constant 0 : i32
    %dma_start3A_32 = arith.constant 0 : i32
    %dma_start3A_33 = tpu.memref_slice %arg3[%dma_start3A_30, %dma_start3A_31, %dma_start3A_32] : memref<2x8x512xi32, #tpu.memory_space<hbm>> -> memref<1x8x512xi32, #tpu.memory_space<hbm>>
    %dma_start3A_34 = tpu.memref_squeeze %dma_start3A_33 : memref<1x8x512xi32, #tpu.memory_space<hbm>> -> memref<8x512xi32, #tpu.memory_space<hbm>>
    %dma_start3A_35 = arith.constant 0 : i32
    %dma_start3A_36 = arith.constant 0 : i32
    %dma_start3A_37 = tpu.memref_slice %arg3[%dma_start3A_30, %dma_start3A_35, %dma_start3A_36] : memref<2x8x512xi32, #tpu.memory_space<hbm>> -> memref<1x8x512xi32, #tpu.memory_space<hbm>>
    %dma_start3A_38 = tpu.memref_squeeze %dma_start3A_37 : memref<1x8x512xi32, #tpu.memory_space<hbm>> -> memref<8x512xi32, #tpu.memory_space<hbm>>
    tpu.enqueue_dma source(%dma_start3A_38 : memref<8x512xi32, #tpu.memory_space<hbm>>) target(%arg6 : memref<8x512xi32, #tpu.memory_space<vmem>>) target_semaphore(%arg11 : memref<!tpu.dma_semaphore, #tpu.memory_space<semaphore_mem>>)
    %dma_wait3A = arith.constant 0 : i32
    %dma_wait3A_39 = arith.constant 0 : i32
    %dma_wait3A_40 = arith.constant 0 : i32
    %dma_wait3A_41 = tpu.memref_slice %arg3[%dma_wait3A, %dma_wait3A_39, %dma_wait3A_40] : memref<2x8x512xi32, #tpu.memory_space<hbm>> -> memref<1x8x512xi32, #tpu.memory_space<hbm>>
    %dma_wait3A_42 = tpu.memref_squeeze %dma_wait3A_41 : memref<1x8x512xi32, #tpu.memory_space<hbm>> -> memref<8x512xi32, #tpu.memory_space<hbm>>
    %dma_wait3A_43 = arith.constant 0 : i32
    %dma_wait3A_44 = arith.constant 0 : i32
    %dma_wait3A_45 = tpu.memref_slice %arg3[%dma_wait3A, %dma_wait3A_43, %dma_wait3A_44] : memref<2x8x512xi32, #tpu.memory_space<hbm>> -> memref<1x8x512xi32, #tpu.memory_space<hbm>>
    %dma_wait3A_46 = tpu.memref_squeeze %dma_wait3A_45 : memref<1x8x512xi32, #tpu.memory_space<hbm>> -> memref<8x512xi32, #tpu.memory_space<hbm>>
    tpu.wait_dma2 semaphore(%arg11 : memref<!tpu.dma_semaphore, #tpu.memory_space<semaphore_mem>>) src(%dma_wait3A_46 : memref<8x512xi32, #tpu.memory_space<hbm>>) dst(%arg5 : memref<8x512xi32, #tpu.memory_space<vmem>>)
    %dma_wait3A_47 = arith.constant 1 : i32
    %dma_wait3A_48 = arith.constant 0 : i32
    %dma_wait3A_49 = arith.constant 0 : i32
    %dma_wait3A_50 = tpu.memref_slice %arg3[%dma_wait3A_47, %dma_wait3A_48, %dma_wait3A_49] : memref<2x8x512xi32, #tpu.memory_space<hbm>> -> memref<1x8x512xi32, #tpu.memory_space<hbm>>
    %dma_wait3A_51 = tpu.memref_squeeze %dma_wait3A_50 : memref<1x8x512xi32, #tpu.memory_space<hbm>> -> memref<8x512xi32, #tpu.memory_space<hbm>>
    %dma_wait3A_52 = arith.constant 0 : i32
    %dma_wait3A_53 = arith.constant 0 : i32
    %dma_wait3A_54 = tpu.memref_slice %arg3[%dma_wait3A_47, %dma_wait3A_52, %dma_wait3A_53] : memref<2x8x512xi32, #tpu.memory_space<hbm>> -> memref<1x8x512xi32, #tpu.memory_space<hbm>>
    %dma_wait3A_55 = tpu.memref_squeeze %dma_wait3A_54 : memref<1x8x512xi32, #tpu.memory_space<hbm>> -> memref<8x512xi32, #tpu.memory_space<hbm>>
    tpu.wait_dma2 semaphore(%arg11 : memref<!tpu.dma_semaphore, #tpu.memory_space<semaphore_mem>>) src(%dma_wait3A_55 : memref<8x512xi32, #tpu.memory_space<hbm>>) dst(%arg6 : memref<8x512xi32, #tpu.memory_space<vmem>>)
    %broadcast_in_dim3A = arith.constant 0 : i32
    %broadcast_in_dim3A_56 = vector.broadcast %broadcast_in_dim3A : i32 to vector<16xi32>
    %add3A_57 = vector.broadcast %select_n3A : i32 to vector<16xi32>
    %add3A_58 = arith.addi %broadcast_in_dim3A_56, %add3A_57 : vector<16xi32>
    %iota3A = tpu.iota {dimensions = array<i32: 0>} : vector<16xi32>
    %add3A_59 = arith.constant 0 : i32
    %add3A_60 = arith.addi %sub3A_21, %add3A_59 : i32
    %add3A_61 = vector.broadcast %add3A_60 : i32 to vector<16xi32>
    %add3A_62 = arith.addi %iota3A, %add3A_61 : vector<16xi32>
    %gather3A = tpu.vector_load_idx %arg5[%add3A_58, %add3A_62] : memref<8x512xi32, #tpu.memory_space<vmem>>[vector<16xi32>, vector<16xi32>], vector<16xi32>,
    %gather3A_63 = tpu.vector_load_idx %arg6[%add3A_58, %add3A_62] : memref<8x512xi32, #tpu.memory_space<vmem>>[vector<16xi32>, vector<16xi32>], vector<16xi32>,
    %max3A = arith.constant 0 : i32
    %max3A_64 = vector.broadcast %max3A : i32 to vector<16xi32>
    %max3A_65 = arith.maxsi %gather3A, %max3A_64 : vector<16xi32>
    %min3A = arith.constant 511 : i32
    %min3A_66 = vector.broadcast %min3A : i32 to vector<16xi32>
    %min3A_67 = arith.minsi %max3A_65, %min3A_66 : vector<16xi32>
    %swap3A = arith.constant 0 : index
    %swap3A_68 = tpu.vector_load %arg7[%swap3A] {strides = array<i32>} : memref<128xi32, #tpu.memory_space<vmem>>, vector<16xi32>,
    tpu.vector_store %arg7[%swap3A], %min3A_67 {strides = array<i32>} : memref<128xi32, #tpu.memory_space<vmem>>, vector<16xi32>,
    %max3A_69 = arith.constant 0 : i32
    %max3A_70 = vector.broadcast %max3A_69 : i32 to vector<16xi32>
    %max3A_71 = arith.maxsi %gather3A_63, %max3A_70 : vector<16xi32>
    %min3A_72 = arith.constant 511 : i32
    %min3A_73 = vector.broadcast %min3A_72 : i32 to vector<16xi32>
    %min3A_74 = arith.minsi %max3A_71, %min3A_73 : vector<16xi32>
    %mul3A_75 = arith.constant 512 : i32
    %mul3A_76 = arith.muli %select_n3A, %mul3A_75 : i32
    %add3A_77 = vector.broadcast %mul3A_76 : i32 to vector<16xi32>
    %add3A_78 = arith.addi %add3A_77, %min3A_74 : vector<16xi32>
    %swap3A_79 = arith.constant 0 : index
    %swap3A_80 = tpu.vector_load %arg8[%swap3A_79] {strides = array<i32>} : memref<128xi32, #tpu.memory_space<vmem>>, vector<16xi32>,
    tpu.vector_store %arg8[%swap3A_79], %add3A_78 {strides = array<i32>} : memref<128xi32, #tpu.memory_space<vmem>>, vector<16xi32>,
    %iota3A_81 = tpu.iota {dimensions = array<i32: 0>} : vector<16xi32>
    %add3A_82 = arith.constant 16 : i32
    %add3A_83 = arith.addi %sub3A_21, %add3A_82 : i32
    %add3A_84 = vector.broadcast %add3A_83 : i32 to vector<16xi32>
    %add3A_85 = arith.addi %iota3A_81, %add3A_84 : vector<16xi32>
    %gather3A_86 = tpu.vector_load_idx %arg5[%add3A_58, %add3A_85] : memref<8x512xi32, #tpu.memory_space<vmem>>[vector<16xi32>, vector<16xi32>], vector<16xi32>,
    %gather3A_87 = tpu.vector_load_idx %arg6[%add3A_58, %add3A_85] : memref<8x512xi32, #tpu.memory_space<vmem>>[vector<16xi32>, vector<16xi32>], vector<16xi32>,
    %max3A_88 = arith.constant 0 : i32
    %max3A_89 = vector.broadcast %max3A_88 : i32 to vector<16xi32>
    %max3A_90 = arith.maxsi %gather3A_86, %max3A_89 : vector<16xi32>
    %min3A_91 = arith.constant 511 : i32
    %min3A_92 = vector.broadcast %min3A_91 : i32 to vector<16xi32>
    %min3A_93 = arith.minsi %max3A_90, %min3A_92 : vector<16xi32>
    %swap3A_94 = arith.constant 16 : index
    %swap3A_95 = tpu.vector_load %arg7[%swap3A_94] {strides = array<i32>} : memref<128xi32, #tpu.memory_space<vmem>>, vector<16xi32>,
    tpu.vector_store %arg7[%swap3A_94], %min3A_93 {strides = array<i32>} : memref<128xi32, #tpu.memory_space<vmem>>, vector<16xi32>,
    %max3A_96 = arith.constant 0 : i32
    %max3A_97 = vector.broadcast %max3A_96 : i32 to vector<16xi32>
    %max3A_98 = arith.maxsi %gather3A_87, %max3A_97 : vector<16xi32>
    %min3A_99 = arith.constant 511 : i32
    %min3A_100 = vector.broadcast %min3A_99 : i32 to vector<16xi32>
    %min3A_101 = arith.minsi %max3A_98, %min3A_100 : vector<16xi32>
    %mul3A_102 = arith.constant 512 : i32
    %mul3A_103 = arith.muli %select_n3A, %mul3A_102 : i32
    %add3A_104 = vector.broadcast %mul3A_103 : i32 to vector<16xi32>
    %add3A_105 = arith.addi %add3A_104, %min3A_101 : vector<16xi32>
    %swap3A_106 = arith.constant 16 : index
    %swap3A_107 = tpu.vector_load %arg8[%swap3A_106] {strides = array<i32>} : memref<128xi32, #tpu.memory_space<vmem>>, vector<16xi32>,
    tpu.vector_store %arg8[%swap3A_106], %add3A_105 {strides = array<i32>} : memref<128xi32, #tpu.memory_space<vmem>>, vector<16xi32>,
    %iota3A_108 = tpu.iota {dimensions = array<i32: 0>} : vector<16xi32>
    %add3A_109 = arith.constant 32 : i32
    %add3A_110 = arith.addi %sub3A_21, %add3A_109 : i32
    %add3A_111 = vector.broadcast %add3A_110 : i32 to vector<16xi32>
    %add3A_112 = arith.addi %iota3A_108, %add3A_111 : vector<16xi32>
    %gather3A_113 = tpu.vector_load_idx %arg5[%add3A_58, %add3A_112] : memref<8x512xi32, #tpu.memory_space<vmem>>[vector<16xi32>, vector<16xi32>], vector<16xi32>,
    %gather3A_114 = tpu.vector_load_idx %arg6[%add3A_58, %add3A_112] : memref<8x512xi32, #tpu.memory_space<vmem>>[vector<16xi32>, vector<16xi32>], vector<16xi32>,
    %max3A_115 = arith.constant 0 : i32
    %max3A_116 = vector.broadcast %max3A_115 : i32 to vector<16xi32>
    %max3A_117 = arith.maxsi %gather3A_113, %max3A_116 : vector<16xi32>
    %min3A_118 = arith.constant 511 : i32
    %min3A_119 = vector.broadcast %min3A_118 : i32 to vector<16xi32>
    %min3A_120 = arith.minsi %max3A_117, %min3A_119 : vector<16xi32>
    %swap3A_121 = arith.constant 32 : index
    %swap3A_122 = tpu.vector_load %arg7[%swap3A_121] {strides = array<i32>} : memref<128xi32, #tpu.memory_space<vmem>>, vector<16xi32>,
    tpu.vector_store %arg7[%swap3A_121], %min3A_120 {strides = array<i32>} : memref<128xi32, #tpu.memory_space<vmem>>, vector<16xi32>,
    %max3A_123 = arith.constant 0 : i32
    %max3A_124 = vector.broadcast %max3A_123 : i32 to vector<16xi32>
    %max3A_125 = arith.maxsi %gather3A_114, %max3A_124 : vector<16xi32>
    %min3A_126 = arith.constant 511 : i32
    %min3A_127 = vector.broadcast %min3A_126 : i32 to vector<16xi32>
    %min3A_128 = arith.minsi %max3A_125, %min3A_127 : vector<16xi32>
    %mul3A_129 = arith.constant 512 : i32
    %mul3A_130 = arith.muli %select_n3A, %mul3A_129 : i32
    %add3A_131 = vector.broadcast %mul3A_130 : i32 to vector<16xi32>
    %add3A_132 = arith.addi %add3A_131, %min3A_128 : vector<16xi32>
    %swap3A_133 = arith.constant 32 : index
    %swap3A_134 = tpu.vector_load %arg8[%swap3A_133] {strides = array<i32>} : memref<128xi32, #tpu.memory_space<vmem>>, vector<16xi32>,
    tpu.vector_store %arg8[%swap3A_133], %add3A_132 {strides = array<i32>} : memref<128xi32, #tpu.memory_space<vmem>>, vector<16xi32>,
    %iota3A_135 = tpu.iota {dimensions = array<i32: 0>} : vector<16xi32>
    %add3A_136 = arith.constant 48 : i32
    %add3A_137 = arith.addi %sub3A_21, %add3A_136 : i32
    %add3A_138 = vector.broadcast %add3A_137 : i32 to vector<16xi32>
    %add3A_139 = arith.addi %iota3A_135, %add3A_138 : vector<16xi32>
    %gather3A_140 = tpu.vector_load_idx %arg5[%add3A_58, %add3A_139] : memref<8x512xi32, #tpu.memory_space<vmem>>[vector<16xi32>, vector<16xi32>], vector<16xi32>,
    %gather3A_141 = tpu.vector_load_idx %arg6[%add3A_58, %add3A_139] : memref<8x512xi32, #tpu.memory_space<vmem>>[vector<16xi32>, vector<16xi32>], vector<16xi32>,
    %max3A_142 = arith.constant 0 : i32
    %max3A_143 = vector.broadcast %max3A_142 : i32 to vector<16xi32>
    %max3A_144 = arith.maxsi %gather3A_140, %max3A_143 : vector<16xi32>
    %min3A_145 = arith.constant 511 : i32
    %min3A_146 = vector.broadcast %min3A_145 : i32 to vector<16xi32>
    %min3A_147 = arith.minsi %max3A_144, %min3A_146 : vector<16xi32>
    %swap3A_148 = arith.constant 48 : index
    %swap3A_149 = tpu.vector_load %arg7[%swap3A_148] {strides = array<i32>} : memref<128xi32, #tpu.memory_space<vmem>>, vector<16xi32>,
    tpu.vector_store %arg7[%swap3A_148], %min3A_147 {strides = array<i32>} : memref<128xi32, #tpu.memory_space<vmem>>, vector<16xi32>,
    %max3A_150 = arith.constant 0 : i32
    %max3A_151 = vector.broadcast %max3A_150 : i32 to vector<16xi32>
    %max3A_152 = arith.maxsi %gather3A_141, %max3A_151 : vector<16xi32>
    %min3A_153 = arith.constant 511 : i32
    %min3A_154 = vector.broadcast %min3A_153 : i32 to vector<16xi32>
    %min3A_155 = arith.minsi %max3A_152, %min3A_154 : vector<16xi32>
    %mul3A_156 = arith.constant 512 : i32
    %mul3A_157 = arith.muli %select_n3A, %mul3A_156 : i32
    %add3A_158 = vector.broadcast %mul3A_157 : i32 to vector<16xi32>
    %add3A_159 = arith.addi %add3A_158, %min3A_155 : vector<16xi32>
    %swap3A_160 = arith.constant 48 : index
    %swap3A_161 = tpu.vector_load %arg8[%swap3A_160] {strides = array<i32>} : memref<128xi32, #tpu.memory_space<vmem>>, vector<16xi32>,
    tpu.vector_store %arg8[%swap3A_160], %add3A_159 {strides = array<i32>} : memref<128xi32, #tpu.memory_space<vmem>>, vector<16xi32>,
    %iota3A_162 = tpu.iota {dimensions = array<i32: 0>} : vector<16xi32>
    %add3A_163 = arith.constant 64 : i32
    %add3A_164 = arith.addi %sub3A_21, %add3A_163 : i32
    %add3A_165 = vector.broadcast %add3A_164 : i32 to vector<16xi32>
    %add3A_166 = arith.addi %iota3A_162, %add3A_165 : vector<16xi32>
    %gather3A_167 = tpu.vector_load_idx %arg5[%add3A_58, %add3A_166] : memref<8x512xi32, #tpu.memory_space<vmem>>[vector<16xi32>, vector<16xi32>], vector<16xi32>,
    %gather3A_168 = tpu.vector_load_idx %arg6[%add3A_58, %add3A_166] : memref<8x512xi32, #tpu.memory_space<vmem>>[vector<16xi32>, vector<16xi32>], vector<16xi32>,
    %max3A_169 = arith.constant 0 : i32
    %max3A_170 = vector.broadcast %max3A_169 : i32 to vector<16xi32>
    %max3A_171 = arith.maxsi %gather3A_167, %max3A_170 : vector<16xi32>
    %min3A_172 = arith.constant 511 : i32
    %min3A_173 = vector.broadcast %min3A_172 : i32 to vector<16xi32>
    %min3A_174 = arith.minsi %max3A_171, %min3A_173 : vector<16xi32>
    %swap3A_175 = arith.constant 64 : index
    %swap3A_176 = tpu.vector_load %arg7[%swap3A_175] {strides = array<i32>} : memref<128xi32, #tpu.memory_space<vmem>>, vector<16xi32>,
    tpu.vector_store %arg7[%swap3A_175], %min3A_174 {strides = array<i32>} : memref<128xi32, #tpu.memory_space<vmem>>, vector<16xi32>,
    %max3A_177 = arith.constant 0 : i32
    %max3A_178 = vector.broadcast %max3A_177 : i32 to vector<16xi32>
    %max3A_179 = arith.maxsi %gather3A_168, %max3A_178 : vector<16xi32>
    %min3A_180 = arith.constant 511 : i32
    %min3A_181 = vector.broadcast %min3A_180 : i32 to vector<16xi32>
    %min3A_182 = arith.minsi %max3A_179, %min3A_181 : vector<16xi32>
    %mul3A_183 = arith.constant 512 : i32
    %mul3A_184 = arith.muli %select_n3A, %mul3A_183 : i32
    %add3A_185 = vector.broadcast %mul3A_184 : i32 to vector<16xi32>
    %add3A_186 = arith.addi %add3A_185, %min3A_182 : vector<16xi32>
    %swap3A_187 = arith.constant 64 : index
    %swap3A_188 = tpu.vector_load %arg8[%swap3A_187] {strides = array<i32>} : memref<128xi32, #tpu.memory_space<vmem>>, vector<16xi32>,
    tpu.vector_store %arg8[%swap3A_187], %add3A_186 {strides = array<i32>} : memref<128xi32, #tpu.memory_space<vmem>>, vector<16xi32>,
    %iota3A_189 = tpu.iota {dimensions = array<i32: 0>} : vector<16xi32>
    %add3A_190 = arith.constant 80 : i32
    %add3A_191 = arith.addi %sub3A_21, %add3A_190 : i32
    %add3A_192 = vector.broadcast %add3A_191 : i32 to vector<16xi32>
    %add3A_193 = arith.addi %iota3A_189, %add3A_192 : vector<16xi32>
    %gather3A_194 = tpu.vector_load_idx %arg5[%add3A_58, %add3A_193] : memref<8x512xi32, #tpu.memory_space<vmem>>[vector<16xi32>, vector<16xi32>], vector<16xi32>,
    %gather3A_195 = tpu.vector_load_idx %arg6[%add3A_58, %add3A_193] : memref<8x512xi32, #tpu.memory_space<vmem>>[vector<16xi32>, vector<16xi32>], vector<16xi32>,
    %max3A_196 = arith.constant 0 : i32
    %max3A_197 = vector.broadcast %max3A_196 : i32 to vector<16xi32>
    %max3A_198 = arith.maxsi %gather3A_194, %max3A_197 : vector<16xi32>
    %min3A_199 = arith.constant 511 : i32
    %min3A_200 = vector.broadcast %min3A_199 : i32 to vector<16xi32>
    %min3A_201 = arith.minsi %max3A_198, %min3A_200 : vector<16xi32>
    %swap3A_202 = arith.constant 80 : index
    %swap3A_203 = tpu.vector_load %arg7[%swap3A_202] {strides = array<i32>} : memref<128xi32, #tpu.memory_space<vmem>>, vector<16xi32>,
    tpu.vector_store %arg7[%swap3A_202], %min3A_201 {strides = array<i32>} : memref<128xi32, #tpu.memory_space<vmem>>, vector<16xi32>,
    %max3A_204 = arith.constant 0 : i32
    %max3A_205 = vector.broadcast %max3A_204 : i32 to vector<16xi32>
    %max3A_206 = arith.maxsi %gather3A_195, %max3A_205 : vector<16xi32>
    %min3A_207 = arith.constant 511 : i32
    %min3A_208 = vector.broadcast %min3A_207 : i32 to vector<16xi32>
    %min3A_209 = arith.minsi %max3A_206, %min3A_208 : vector<16xi32>
    %mul3A_210 = arith.constant 512 : i32
    %mul3A_211 = arith.muli %select_n3A, %mul3A_210 : i32
    %add3A_212 = vector.broadcast %mul3A_211 : i32 to vector<16xi32>
    %add3A_213 = arith.addi %add3A_212, %min3A_209 : vector<16xi32>
    %swap3A_214 = arith.constant 80 : index
    %swap3A_215 = tpu.vector_load %arg8[%swap3A_214] {strides = array<i32>} : memref<128xi32, #tpu.memory_space<vmem>>, vector<16xi32>,
    tpu.vector_store %arg8[%swap3A_214], %add3A_213 {strides = array<i32>} : memref<128xi32, #tpu.memory_space<vmem>>, vector<16xi32>,
    %iota3A_216 = tpu.iota {dimensions = array<i32: 0>} : vector<16xi32>
    %add3A_217 = arith.constant 96 : i32
    %add3A_218 = arith.addi %sub3A_21, %add3A_217 : i32
    %add3A_219 = vector.broadcast %add3A_218 : i32 to vector<16xi32>
    %add3A_220 = arith.addi %iota3A_216, %add3A_219 : vector<16xi32>
    %gather3A_221 = tpu.vector_load_idx %arg5[%add3A_58, %add3A_220] : memref<8x512xi32, #tpu.memory_space<vmem>>[vector<16xi32>, vector<16xi32>], vector<16xi32>,
    %gather3A_222 = tpu.vector_load_idx %arg6[%add3A_58, %add3A_220] : memref<8x512xi32, #tpu.memory_space<vmem>>[vector<16xi32>, vector<16xi32>], vector<16xi32>,
    %max3A_223 = arith.constant 0 : i32
    %max3A_224 = vector.broadcast %max3A_223 : i32 to vector<16xi32>
    %max3A_225 = arith.maxsi %gather3A_221, %max3A_224 : vector<16xi32>
    %min3A_226 = arith.constant 511 : i32
    %min3A_227 = vector.broadcast %min3A_226 : i32 to vector<16xi32>
    %min3A_228 = arith.minsi %max3A_225, %min3A_227 : vector<16xi32>
    %swap3A_229 = arith.constant 96 : index
    %swap3A_230 = tpu.vector_load %arg7[%swap3A_229] {strides = array<i32>} : memref<128xi32, #tpu.memory_space<vmem>>, vector<16xi32>,
    tpu.vector_store %arg7[%swap3A_229], %min3A_228 {strides = array<i32>} : memref<128xi32, #tpu.memory_space<vmem>>, vector<16xi32>,
    %max3A_231 = arith.constant 0 : i32
    %max3A_232 = vector.broadcast %max3A_231 : i32 to vector<16xi32>
    %max3A_233 = arith.maxsi %gather3A_222, %max3A_232 : vector<16xi32>
    %min3A_234 = arith.constant 511 : i32
    %min3A_235 = vector.broadcast %min3A_234 : i32 to vector<16xi32>
    %min3A_236 = arith.minsi %max3A_233, %min3A_235 : vector<16xi32>
    %mul3A_237 = arith.constant 512 : i32
    %mul3A_238 = arith.muli %select_n3A, %mul3A_237 : i32
    %add3A_239 = vector.broadcast %mul3A_238 : i32 to vector<16xi32>
    %add3A_240 = arith.addi %add3A_239, %min3A_236 : vector<16xi32>
    %swap3A_241 = arith.constant 96 : index
    %swap3A_242 = tpu.vector_load %arg8[%swap3A_241] {strides = array<i32>} : memref<128xi32, #tpu.memory_space<vmem>>, vector<16xi32>,
    tpu.vector_store %arg8[%swap3A_241], %add3A_240 {strides = array<i32>} : memref<128xi32, #tpu.memory_space<vmem>>, vector<16xi32>,
    %iota3A_243 = tpu.iota {dimensions = array<i32: 0>} : vector<16xi32>
    %add3A_244 = arith.constant 112 : i32
    %add3A_245 = arith.addi %sub3A_21, %add3A_244 : i32
    %add3A_246 = vector.broadcast %add3A_245 : i32 to vector<16xi32>
    %add3A_247 = arith.addi %iota3A_243, %add3A_246 : vector<16xi32>
    %gather3A_248 = tpu.vector_load_idx %arg5[%add3A_58, %add3A_247] : memref<8x512xi32, #tpu.memory_space<vmem>>[vector<16xi32>, vector<16xi32>], vector<16xi32>,
    %gather3A_249 = tpu.vector_load_idx %arg6[%add3A_58, %add3A_247] : memref<8x512xi32, #tpu.memory_space<vmem>>[vector<16xi32>, vector<16xi32>], vector<16xi32>,
    %max3A_250 = arith.constant 0 : i32
    %max3A_251 = vector.broadcast %max3A_250 : i32 to vector<16xi32>
    %max3A_252 = arith.maxsi %gather3A_248, %max3A_251 : vector<16xi32>
    %min3A_253 = arith.constant 511 : i32
    %min3A_254 = vector.broadcast %min3A_253 : i32 to vector<16xi32>
    %min3A_255 = arith.minsi %max3A_252, %min3A_254 : vector<16xi32>
    %swap3A_256 = arith.constant 112 : index
    %swap3A_257 = tpu.vector_load %arg7[%swap3A_256] {strides = array<i32>} : memref<128xi32, #tpu.memory_space<vmem>>, vector<16xi32>,
    tpu.vector_store %arg7[%swap3A_256], %min3A_255 {strides = array<i32>} : memref<128xi32, #tpu.memory_space<vmem>>, vector<16xi32>,
    %max3A_258 = arith.constant 0 : i32
    %max3A_259 = vector.broadcast %max3A_258 : i32 to vector<16xi32>
    %max3A_260 = arith.maxsi %gather3A_249, %max3A_259 : vector<16xi32>
    %min3A_261 = arith.constant 511 : i32
    %min3A_262 = vector.broadcast %min3A_261 : i32 to vector<16xi32>
    %min3A_263 = arith.minsi %max3A_260, %min3A_262 : vector<16xi32>
    %mul3A_264 = arith.constant 512 : i32
    %mul3A_265 = arith.muli %select_n3A, %mul3A_264 : i32
    %add3A_266 = vector.broadcast %mul3A_265 : i32 to vector<16xi32>
    %add3A_267 = arith.addi %add3A_266, %min3A_263 : vector<16xi32>
    %swap3A_268 = arith.constant 112 : index
    %swap3A_269 = tpu.vector_load %arg8[%swap3A_268] {strides = array<i32>} : memref<128xi32, #tpu.memory_space<vmem>>, vector<16xi32>,
    tpu.vector_store %arg8[%swap3A_268], %add3A_267 {strides = array<i32>} : memref<128xi32, #tpu.memory_space<vmem>>, vector<16xi32>,
    %dma_start3A_270 = arith.constant 0 : i32
    %dma_start3A_271 = arith.constant 0 : i32
    %dma_start3A_272 = tpu.memref_slice %arg2[%dma_start3A_270, %dma_start3A_271] : memref<4096x512xf32, #tpu.memory_space<hbm>> -> memref<4096x512xf32, #tpu.memory_space<hbm>>
    tpu.enqueue_indirect_dma source(%dma_start3A_272 : memref<4096x512xf32, #tpu.memory_space<hbm>>) target(%arg9 : memref<128x512xf32, #tpu.memory_space<vmem>>) offsets(%arg8 : memref<128xi32, #tpu.memory_space<vmem>>) semaphore(%arg11 : memref<!tpu.dma_semaphore, #tpu.memory_space<semaphore_mem>>)
    %dma_wait3A_273 = arith.constant 0 : i32
    %dma_wait3A_274 = arith.constant 0 : i32
    %dma_wait3A_275 = tpu.memref_slice %arg2[%dma_wait3A_273, %dma_wait3A_274] : memref<4096x512xf32, #tpu.memory_space<hbm>> -> memref<4096x512xf32, #tpu.memory_space<hbm>>
    tpu.wait_indirect_dma semaphore(%arg11 : memref<!tpu.dma_semaphore, #tpu.memory_space<semaphore_mem>>) src(%dma_wait3A_275 : memref<4096x512xf32, #tpu.memory_space<hbm>>) dst(%arg9 : memref<128x512xf32, #tpu.memory_space<vmem>>)
    %iota3A_276 = tpu.iota {dimensions = array<i32: 0>} : vector<16xi32>
    %add3A_277 = arith.constant 0 : i32
    %add3A_278 = vector.broadcast %add3A_277 : i32 to vector<16xi32>
    %add3A_279 = arith.addi %iota3A_276, %add3A_278 : vector<16xi32>
    %get3A = arith.constant 0 : index
    %get3A_280 = tpu.vector_load %arg7[%get3A] {strides = array<i32>} : memref<128xi32, #tpu.memory_space<vmem>>, vector<16xi32>,
    %gather3A_281 = tpu.vector_load_idx %arg9[%add3A_279, %get3A_280] : memref<128x512xf32, #tpu.memory_space<vmem>>[vector<16xi32>, vector<16xi32>], vector<16xf32>,
    %swap3A_282 = arith.constant 0 : index
    %swap3A_283 = tpu.vector_load %arg10[%swap3A_282] {strides = array<i32>} : memref<128xf32, #tpu.memory_space<vmem>>, vector<16xf32>,
    tpu.vector_store %arg10[%swap3A_282], %gather3A_281 {strides = array<i32>} : memref<128xf32, #tpu.memory_space<vmem>>, vector<16xf32>,
    %iota3A_284 = tpu.iota {dimensions = array<i32: 0>} : vector<16xi32>
    %add3A_285 = arith.constant 16 : i32
    %add3A_286 = vector.broadcast %add3A_285 : i32 to vector<16xi32>
    %add3A_287 = arith.addi %iota3A_284, %add3A_286 : vector<16xi32>
    %get3A_288 = arith.constant 16 : index
    %get3A_289 = tpu.vector_load %arg7[%get3A_288] {strides = array<i32>} : memref<128xi32, #tpu.memory_space<vmem>>, vector<16xi32>,
    %gather3A_290 = tpu.vector_load_idx %arg9[%add3A_287, %get3A_289] : memref<128x512xf32, #tpu.memory_space<vmem>>[vector<16xi32>, vector<16xi32>], vector<16xf32>,
    %swap3A_291 = arith.constant 16 : index
    %swap3A_292 = tpu.vector_load %arg10[%swap3A_291] {strides = array<i32>} : memref<128xf32, #tpu.memory_space<vmem>>, vector<16xf32>,
    tpu.vector_store %arg10[%swap3A_291], %gather3A_290 {strides = array<i32>} : memref<128xf32, #tpu.memory_space<vmem>>, vector<16xf32>,
    %iota3A_293 = tpu.iota {dimensions = array<i32: 0>} : vector<16xi32>
    %add3A_294 = arith.constant 32 : i32
    %add3A_295 = vector.broadcast %add3A_294 : i32 to vector<16xi32>
    %add3A_296 = arith.addi %iota3A_293, %add3A_295 : vector<16xi32>
    %get3A_297 = arith.constant 32 : index
    %get3A_298 = tpu.vector_load %arg7[%get3A_297] {strides = array<i32>} : memref<128xi32, #tpu.memory_space<vmem>>, vector<16xi32>,
    %gather3A_299 = tpu.vector_load_idx %arg9[%add3A_296, %get3A_298] : memref<128x512xf32, #tpu.memory_space<vmem>>[vector<16xi32>, vector<16xi32>], vector<16xf32>,
    %swap3A_300 = arith.constant 32 : index
    %swap3A_301 = tpu.vector_load %arg10[%swap3A_300] {strides = array<i32>} : memref<128xf32, #tpu.memory_space<vmem>>, vector<16xf32>,
    tpu.vector_store %arg10[%swap3A_300], %gather3A_299 {strides = array<i32>} : memref<128xf32, #tpu.memory_space<vmem>>, vector<16xf32>,
    %iota3A_302 = tpu.iota {dimensions = array<i32: 0>} : vector<16xi32>
    %add3A_303 = arith.constant 48 : i32
    %add3A_304 = vector.broadcast %add3A_303 : i32 to vector<16xi32>
    %add3A_305 = arith.addi %iota3A_302, %add3A_304 : vector<16xi32>
    %get3A_306 = arith.constant 48 : index
    %get3A_307 = tpu.vector_load %arg7[%get3A_306] {strides = array<i32>} : memref<128xi32, #tpu.memory_space<vmem>>, vector<16xi32>,
    %gather3A_308 = tpu.vector_load_idx %arg9[%add3A_305, %get3A_307] : memref<128x512xf32, #tpu.memory_space<vmem>>[vector<16xi32>, vector<16xi32>], vector<16xf32>,
    %swap3A_309 = arith.constant 48 : index
    %swap3A_310 = tpu.vector_load %arg10[%swap3A_309] {strides = array<i32>} : memref<128xf32, #tpu.memory_space<vmem>>, vector<16xf32>,
    tpu.vector_store %arg10[%swap3A_309], %gather3A_308 {strides = array<i32>} : memref<128xf32, #tpu.memory_space<vmem>>, vector<16xf32>,
    %iota3A_311 = tpu.iota {dimensions = array<i32: 0>} : vector<16xi32>
    %add3A_312 = arith.constant 64 : i32
    %add3A_313 = vector.broadcast %add3A_312 : i32 to vector<16xi32>
    %add3A_314 = arith.addi %iota3A_311, %add3A_313 : vector<16xi32>
    %get3A_315 = arith.constant 64 : index
    %get3A_316 = tpu.vector_load %arg7[%get3A_315] {strides = array<i32>} : memref<128xi32, #tpu.memory_space<vmem>>, vector<16xi32>,
    %gather3A_317 = tpu.vector_load_idx %arg9[%add3A_314, %get3A_316] : memref<128x512xf32, #tpu.memory_space<vmem>>[vector<16xi32>, vector<16xi32>], vector<16xf32>,
    %swap3A_318 = arith.constant 64 : index
    %swap3A_319 = tpu.vector_load %arg10[%swap3A_318] {strides = array<i32>} : memref<128xf32, #tpu.memory_space<vmem>>, vector<16xf32>,
    tpu.vector_store %arg10[%swap3A_318], %gather3A_317 {strides = array<i32>} : memref<128xf32, #tpu.memory_space<vmem>>, vector<16xf32>,
    %iota3A_320 = tpu.iota {dimensions = array<i32: 0>} : vector<16xi32>
    %add3A_321 = arith.constant 80 : i32
    %add3A_322 = vector.broadcast %add3A_321 : i32 to vector<16xi32>
    %add3A_323 = arith.addi %iota3A_320, %add3A_322 : vector<16xi32>
    %get3A_324 = arith.constant 80 : index
    %get3A_325 = tpu.vector_load %arg7[%get3A_324] {strides = array<i32>} : memref<128xi32, #tpu.memory_space<vmem>>, vector<16xi32>,
    %gather3A_326 = tpu.vector_load_idx %arg9[%add3A_323, %get3A_325] : memref<128x512xf32, #tpu.memory_space<vmem>>[vector<16xi32>, vector<16xi32>], vector<16xf32>,
    %swap3A_327 = arith.constant 80 : index
    %swap3A_328 = tpu.vector_load %arg10[%swap3A_327] {strides = array<i32>} : memref<128xf32, #tpu.memory_space<vmem>>, vector<16xf32>,
    tpu.vector_store %arg10[%swap3A_327], %gather3A_326 {strides = array<i32>} : memref<128xf32, #tpu.memory_space<vmem>>, vector<16xf32>,
    %iota3A_329 = tpu.iota {dimensions = array<i32: 0>} : vector<16xi32>
    %add3A_330 = arith.constant 96 : i32
    %add3A_331 = vector.broadcast %add3A_330 : i32 to vector<16xi32>
    %add3A_332 = arith.addi %iota3A_329, %add3A_331 : vector<16xi32>
    %get3A_333 = arith.constant 96 : index
    %get3A_334 = tpu.vector_load %arg7[%get3A_333] {strides = array<i32>} : memref<128xi32, #tpu.memory_space<vmem>>, vector<16xi32>,
    %gather3A_335 = tpu.vector_load_idx %arg9[%add3A_332, %get3A_334] : memref<128x512xf32, #tpu.memory_space<vmem>>[vector<16xi32>, vector<16xi32>], vector<16xf32>,
    %swap3A_336 = arith.constant 96 : index
    %swap3A_337 = tpu.vector_load %arg10[%swap3A_336] {strides = array<i32>} : memref<128xf32, #tpu.memory_space<vmem>>, vector<16xf32>,
    tpu.vector_store %arg10[%swap3A_336], %gather3A_335 {strides = array<i32>} : memref<128xf32, #tpu.memory_space<vmem>>, vector<16xf32>,
    %iota3A_338 = tpu.iota {dimensions = array<i32: 0>} : vector<16xi32>
    %add3A_339 = arith.constant 112 : i32
    %add3A_340 = vector.broadcast %add3A_339 : i32 to vector<16xi32>
    %add3A_341 = arith.addi %iota3A_338, %add3A_340 : vector<16xi32>
    %get3A_342 = arith.constant 112 : index
    %get3A_343 = tpu.vector_load %arg7[%get3A_342] {strides = array<i32>} : memref<128xi32, #tpu.memory_space<vmem>>, vector<16xi32>,
    %gather3A_344 = tpu.vector_load_idx %arg9[%add3A_341, %get3A_343] : memref<128x512xf32, #tpu.memory_space<vmem>>[vector<16xi32>, vector<16xi32>], vector<16xf32>,
    %swap3A_345 = arith.constant 112 : index
    %swap3A_346 = tpu.vector_load %arg10[%swap3A_345] {strides = array<i32>} : memref<128xf32, #tpu.memory_space<vmem>>, vector<16xf32>,
    tpu.vector_store %arg10[%swap3A_345], %gather3A_344 {strides = array<i32>} : memref<128xf32, #tpu.memory_space<vmem>>, vector<16xf32>,
    "tpu.region"() ({
      %run_scoped3A = tpu.sem_alloc : memref<!tpu.dma_semaphore, #tpu.memory_space<semaphore_mem>>
      %dma_start3A_347 = tpu.memref_slice %arg4[%mul3A_2] : memref<4096xf32, #tpu.memory_space<hbm>> -> memref<128xf32, #tpu.memory_space<hbm>>
      %dma_start3A_348 = tpu.memref_slice %arg4[%mul3A_2] : memref<4096xf32, #tpu.memory_space<hbm>> -> memref<128xf32, #tpu.memory_space<hbm>>
      tpu.enqueue_dma source(%arg10 : memref<128xf32, #tpu.memory_space<vmem>>) target(%dma_start3A_348 : memref<128xf32, #tpu.memory_space<hbm>>) target_semaphore(%run_scoped3A : memref<!tpu.dma_semaphore, #tpu.memory_space<semaphore_mem>>)
      %dma_wait3A_349 = tpu.memref_slice %arg4[%mul3A_2] : memref<4096xf32, #tpu.memory_space<hbm>> -> memref<128xf32, #tpu.memory_space<hbm>>
      %dma_wait3A_350 = tpu.memref_slice %arg4[%mul3A_2] : memref<4096xf32, #tpu.memory_space<hbm>> -> memref<128xf32, #tpu.memory_space<hbm>>
      tpu.wait_dma2 semaphore(%run_scoped3A : memref<!tpu.dma_semaphore, #tpu.memory_space<semaphore_mem>>) src(%arg10 : memref<128xf32, #tpu.memory_space<vmem>>) dst(%dma_wait3A_350 : memref<128xf32, #tpu.memory_space<hbm>>)
      tpu.yield
    }) : () -> ()
    return
  }
}

module attributes {stable_mosaic.version = 14 : i64} {
  func.func @_combine_body(%arg0: memref<1x1xf32, #tpu.memory_space<vmem>>, %arg1: memref<4096xf32, #tpu.memory_space<vmem>>, %arg2: memref<8x512xf32, #tpu.memory_space<vmem>>, %arg3: memref<1x1xf32, #tpu.memory_space<smem>>) attributes {dimension_semantics = [], scalar_prefetch = 0 : i64, scratch_operands = 0 : i64, tpu.core_type = #tpu.core_type<tc>} {
    %get3A = arith.constant 0 : index
    %get3A_0 = vector.load %arg1[%get3A] : memref<4096xf32, #tpu.memory_space<vmem>>, vector<4096xf32>
    %reshape3A = vector.shape_cast %get3A_0 : vector<4096xf32> to vector<8x512xf32>
    %get3A_1 = arith.constant 0 : index
    %get3A_2 = arith.constant 0 : index
    %get3A_3 = vector.load %arg2[%get3A_1, %get3A_2] : memref<8x512xf32, #tpu.memory_space<vmem>>, vector<8x512xf32>
    %neg3A = arith.constant 0.000000e+00 : f32
    %neg3A_4 = vector.broadcast %neg3A : f32 to vector<8x512xf32>
    %neg3A_5 = arith.subf %neg3A_4, %reshape3A : vector<8x512xf32>
    %exp3A = math.exp %neg3A_5 : vector<8x512xf32>
    %add3A = arith.constant 1.000000e+00 : f32
    %add3A_6 = vector.broadcast %add3A : f32 to vector<8x512xf32>
    %add3A_7 = arith.addf %add3A_6, %exp3A : vector<8x512xf32>
    %div3A = arith.constant 1.000000e+00 : f32
    %div3A_8 = vector.broadcast %div3A : f32 to vector<8x512xf32>
    %div3A_9 = arith.divf %div3A_8, %add3A_7 : vector<8x512xf32>
    %log3A = math.log %div3A_9 : vector<8x512xf32>
    %max3A = arith.constant -1.000000e+02 : f32
    %max3A_10 = vector.broadcast %max3A : f32 to vector<8x512xf32>
    %max3A_11 = arith.maximumf %log3A, %max3A_10 : vector<8x512xf32>
    %sub3A = arith.constant 1.000000e+00 : f32
    %sub3A_12 = vector.broadcast %sub3A : f32 to vector<8x512xf32>
    %sub3A_13 = arith.subf %sub3A_12, %div3A_9 : vector<8x512xf32>
    %log3A_14 = math.log %sub3A_13 : vector<8x512xf32>
    %max3A_15 = arith.constant -1.000000e+02 : f32
    %max3A_16 = vector.broadcast %max3A_15 : f32 to vector<8x512xf32>
    %max3A_17 = arith.maximumf %log3A_14, %max3A_16 : vector<8x512xf32>
    %mul3A = arith.mulf %get3A_3, %max3A_11 : vector<8x512xf32>
    %sub3A_18 = arith.constant 1.000000e+00 : f32
    %sub3A_19 = vector.broadcast %sub3A_18 : f32 to vector<8x512xf32>
    %sub3A_20 = arith.subf %sub3A_19, %get3A_3 : vector<8x512xf32>
    %mul3A_21 = arith.mulf %sub3A_20, %max3A_17 : vector<8x512xf32>
    %add3A_22 = arith.addf %mul3A, %mul3A_21 : vector<8x512xf32>
    %neg3A_23 = arith.constant 0.000000e+00 : f32
    %neg3A_24 = vector.broadcast %neg3A_23 : f32 to vector<8x512xf32>
    %neg3A_25 = arith.subf %neg3A_24, %add3A_22 : vector<8x512xf32>
    %reduce_sum3A = vector.shape_cast %neg3A_25 : vector<8x512xf32> to vector<1x8x512xf32>
    %reduce_sum3A_26 = arith.constant dense<0.000000e+00> : vector<1xf32>
    %reduce_sum3A_27 = vector.multi_reduction <add>, %reduce_sum3A, %reduce_sum3A_26 [1, 2] : vector<1x8x512xf32> to vector<1xf32>
    %reduce_sum3A_28 = vector.shape_cast %reduce_sum3A_27 : vector<1xf32> to vector<1x1x1xf32>
    %reduce_sum3A_29 = vector.extract %reduce_sum3A_28[0, 0, 0] : f32 from vector<1x1x1xf32>
    %div3A_30 = arith.constant 4.096000e+03 : f32
    %div3A_31 = arith.divf %reduce_sum3A_29, %div3A_30 : f32
    %get3A_32 = arith.constant 0 : index
    %get3A_33 = arith.constant 0 : index
    %get3A_34 = vector.load %arg0[%get3A_32, %get3A_33] : memref<1x1xf32, #tpu.memory_space<vmem>>, vector<1x1xf32>
    %get3A_35 = vector.extract %get3A_34[0, 0] : f32 from vector<1x1xf32>
    %mul3A_36 = arith.constant 1.000000e-01 : f32
    %mul3A_37 = arith.mulf %mul3A_36, %get3A_35 : f32
    %div3A_38 = arith.constant 8.000000e+00 : f32
    %div3A_39 = arith.divf %mul3A_37, %div3A_38 : f32
    %add3A_40 = arith.addf %div3A_31, %div3A_39 : f32
    %swap3A = arith.constant 0 : index
    %swap3A_41 = arith.constant 0 : index
    %swap3A_42 = memref.load %arg3[%swap3A, %swap3A_41] : memref<1x1xf32, #tpu.memory_space<smem>>
    memref.store %add3A_40, %arg3[%swap3A, %swap3A_41] : memref<1x1xf32, #tpu.memory_space<smem>>
    return
  }
}

module attributes {stable_mosaic.version = 14 : i64} {
  func.func @_tv_body(%arg0: i32, %arg1: memref<1x512x512xf32, #tpu.memory_space<vmem>>, %arg2: memref<1x512x512xf32, #tpu.memory_space<vmem>>, %arg3: memref<1x512x512xf32, #tpu.memory_space<vmem>>, %arg4: memref<1x512x512xf32, #tpu.memory_space<vmem>>, %arg5: memref<1x1xf32, #tpu.memory_space<vmem>>) attributes {dimension_semantics = [#tpu.dimension_semantics<arbitrary>], iteration_bounds = array<i64: 2>, scalar_prefetch = 0 : i64, scratch_operands = 0 : i64, tpu.core_type = #tpu.core_type<tc>, window_params = [{transform_indices = @transform_0, window_bounds = array<i64: 1, 512, 512>}, {transform_indices = @transform_1, window_bounds = array<i64: 1, 512, 512>}, {transform_indices = @transform_2, window_bounds = array<i64: 1, 512, 512>}, {transform_indices = @transform_3, window_bounds = array<i64: 1, 512, 512>}, {pipeline_mode = #tpu.pipeline_mode<synchronous>, transform_indices = @transform_4, window_bounds = array<i64: 1, 1>}]} {
    %get3A = arith.constant 0 : index
    %get3A_0 = arith.constant 0 : index
    %get3A_1 = arith.constant 0 : index
    %get3A_2 = vector.load %arg1[%get3A, %get3A_0, %get3A_1] : memref<1x512x512xf32, #tpu.memory_space<vmem>>, vector<1x512x512xf32>
    %get3A_3 = vector.shape_cast %get3A_2 : vector<1x512x512xf32> to vector<512x512xf32>
    %neg3A = arith.constant 0.000000e+00 : f32
    %neg3A_4 = vector.broadcast %neg3A : f32 to vector<512x512xf32>
    %neg3A_5 = arith.subf %neg3A_4, %get3A_3 : vector<512x512xf32>
    %exp3A = math.exp %neg3A_5 : vector<512x512xf32>
    %add3A = arith.constant 1.000000e+00 : f32
    %add3A_6 = vector.broadcast %add3A : f32 to vector<512x512xf32>
    %add3A_7 = arith.addf %add3A_6, %exp3A : vector<512x512xf32>
    %div3A = arith.constant 1.000000e+00 : f32
    %div3A_8 = vector.broadcast %div3A : f32 to vector<512x512xf32>
    %div3A_9 = arith.divf %div3A_8, %add3A_7 : vector<512x512xf32>
    %slice3A = vector.extract_strided_slice %div3A_9 {offsets = [0, 1], sizes = [512, 511], strides = [1, 1]} : vector<512x512xf32> to vector<512x511xf32>
    %slice3A_10 = vector.extract_strided_slice %div3A_9 {offsets = [0, 0], sizes = [512, 511], strides = [1, 1]} : vector<512x512xf32> to vector<512x511xf32>
    %sub3A = arith.subf %slice3A, %slice3A_10 : vector<512x511xf32>
    %abs3A = math.absf %sub3A : vector<512x511xf32>
    %reduce_sum3A = vector.shape_cast %abs3A : vector<512x511xf32> to vector<1x512x511xf32>
    %reduce_sum3A_11 = arith.constant dense<0.000000e+00> : vector<1xf32>
    %reduce_sum3A_12 = vector.multi_reduction <add>, %reduce_sum3A, %reduce_sum3A_11 [1, 2] : vector<1x512x511xf32> to vector<1xf32>
    %reduce_sum3A_13 = vector.shape_cast %reduce_sum3A_12 : vector<1xf32> to vector<1x1x1xf32>
    %reduce_sum3A_14 = vector.extract %reduce_sum3A_13[0, 0, 0] : f32 from vector<1x1x1xf32>
    %slice3A_15 = vector.extract_strided_slice %div3A_9 {offsets = [1, 0], sizes = [511, 512], strides = [1, 1]} : vector<512x512xf32> to vector<511x512xf32>
    %slice3A_16 = vector.extract_strided_slice %div3A_9 {offsets = [0, 0], sizes = [511, 512], strides = [1, 1]} : vector<512x512xf32> to vector<511x512xf32>
    %sub3A_17 = arith.subf %slice3A_15, %slice3A_16 : vector<511x512xf32>
    %abs3A_18 = math.absf %sub3A_17 : vector<511x512xf32>
    %reduce_sum3A_19 = vector.shape_cast %abs3A_18 : vector<511x512xf32> to vector<1x511x512xf32>
    %reduce_sum3A_20 = arith.constant dense<0.000000e+00> : vector<1xf32>
    %reduce_sum3A_21 = vector.multi_reduction <add>, %reduce_sum3A_19, %reduce_sum3A_20 [1, 2] : vector<1x511x512xf32> to vector<1xf32>
    %reduce_sum3A_22 = vector.shape_cast %reduce_sum3A_21 : vector<1xf32> to vector<1x1x1xf32>
    %reduce_sum3A_23 = vector.extract %reduce_sum3A_22[0, 0, 0] : f32 from vector<1x1x1xf32>
    %add3A_24 = arith.addf %reduce_sum3A_14, %reduce_sum3A_23 : f32
    %add3A_25 = arith.constant 0.000000e+00 : f32
    %add3A_26 = arith.addf %add3A_25, %add3A_24 : f32
    %get3A_27 = arith.constant 0 : index
    %get3A_28 = arith.constant 0 : index
    %get3A_29 = arith.constant 0 : index
    %get3A_30 = vector.load %arg2[%get3A_27, %get3A_28, %get3A_29] : memref<1x512x512xf32, #tpu.memory_space<vmem>>, vector<1x512x512xf32>
    %get3A_31 = vector.shape_cast %get3A_30 : vector<1x512x512xf32> to vector<512x512xf32>
    %neg3A_32 = arith.constant 0.000000e+00 : f32
    %neg3A_33 = vector.broadcast %neg3A_32 : f32 to vector<512x512xf32>
    %neg3A_34 = arith.subf %neg3A_33, %get3A_31 : vector<512x512xf32>
    %exp3A_35 = math.exp %neg3A_34 : vector<512x512xf32>
    %add3A_36 = arith.constant 1.000000e+00 : f32
    %add3A_37 = vector.broadcast %add3A_36 : f32 to vector<512x512xf32>
    %add3A_38 = arith.addf %add3A_37, %exp3A_35 : vector<512x512xf32>
    %div3A_39 = arith.constant 1.000000e+00 : f32
    %div3A_40 = vector.broadcast %div3A_39 : f32 to vector<512x512xf32>
    %div3A_41 = arith.divf %div3A_40, %add3A_38 : vector<512x512xf32>
    %slice3A_42 = vector.extract_strided_slice %div3A_41 {offsets = [0, 1], sizes = [512, 511], strides = [1, 1]} : vector<512x512xf32> to vector<512x511xf32>
    %slice3A_43 = vector.extract_strided_slice %div3A_41 {offsets = [0, 0], sizes = [512, 511], strides = [1, 1]} : vector<512x512xf32> to vector<512x511xf32>
    %sub3A_44 = arith.subf %slice3A_42, %slice3A_43 : vector<512x511xf32>
    %abs3A_45 = math.absf %sub3A_44 : vector<512x511xf32>
    %reduce_sum3A_46 = vector.shape_cast %abs3A_45 : vector<512x511xf32> to vector<1x512x511xf32>
    %reduce_sum3A_47 = arith.constant dense<0.000000e+00> : vector<1xf32>
    %reduce_sum3A_48 = vector.multi_reduction <add>, %reduce_sum3A_46, %reduce_sum3A_47 [1, 2] : vector<1x512x511xf32> to vector<1xf32>
    %reduce_sum3A_49 = vector.shape_cast %reduce_sum3A_48 : vector<1xf32> to vector<1x1x1xf32>
    %reduce_sum3A_50 = vector.extract %reduce_sum3A_49[0, 0, 0] : f32 from vector<1x1x1xf32>
    %slice3A_51 = vector.extract_strided_slice %div3A_41 {offsets = [1, 0], sizes = [511, 512], strides = [1, 1]} : vector<512x512xf32> to vector<511x512xf32>
    %slice3A_52 = vector.extract_strided_slice %div3A_41 {offsets = [0, 0], sizes = [511, 512], strides = [1, 1]} : vector<512x512xf32> to vector<511x512xf32>
    %sub3A_53 = arith.subf %slice3A_51, %slice3A_52 : vector<511x512xf32>
    %abs3A_54 = math.absf %sub3A_53 : vector<511x512xf32>
    %reduce_sum3A_55 = vector.shape_cast %abs3A_54 : vector<511x512xf32> to vector<1x511x512xf32>
    %reduce_sum3A_56 = arith.constant dense<0.000000e+00> : vector<1xf32>
    %reduce_sum3A_57 = vector.multi_reduction <add>, %reduce_sum3A_55, %reduce_sum3A_56 [1, 2] : vector<1x511x512xf32> to vector<1xf32>
    %reduce_sum3A_58 = vector.shape_cast %reduce_sum3A_57 : vector<1xf32> to vector<1x1x1xf32>
    %reduce_sum3A_59 = vector.extract %reduce_sum3A_58[0, 0, 0] : f32 from vector<1x1x1xf32>
    %add3A_60 = arith.addf %reduce_sum3A_50, %reduce_sum3A_59 : f32
    %add3A_61 = arith.addf %add3A_26, %add3A_60 : f32
    %get3A_62 = arith.constant 0 : index
    %get3A_63 = arith.constant 0 : index
    %get3A_64 = arith.constant 0 : index
    %get3A_65 = vector.load %arg3[%get3A_62, %get3A_63, %get3A_64] : memref<1x512x512xf32, #tpu.memory_space<vmem>>, vector<1x512x512xf32>
    %get3A_66 = vector.shape_cast %get3A_65 : vector<1x512x512xf32> to vector<512x512xf32>
    %neg3A_67 = arith.constant 0.000000e+00 : f32
    %neg3A_68 = vector.broadcast %neg3A_67 : f32 to vector<512x512xf32>
    %neg3A_69 = arith.subf %neg3A_68, %get3A_66 : vector<512x512xf32>
    %exp3A_70 = math.exp %neg3A_69 : vector<512x512xf32>
    %add3A_71 = arith.constant 1.000000e+00 : f32
    %add3A_72 = vector.broadcast %add3A_71 : f32 to vector<512x512xf32>
    %add3A_73 = arith.addf %add3A_72, %exp3A_70 : vector<512x512xf32>
    %div3A_74 = arith.constant 1.000000e+00 : f32
    %div3A_75 = vector.broadcast %div3A_74 : f32 to vector<512x512xf32>
    %div3A_76 = arith.divf %div3A_75, %add3A_73 : vector<512x512xf32>
    %slice3A_77 = vector.extract_strided_slice %div3A_76 {offsets = [0, 1], sizes = [512, 511], strides = [1, 1]} : vector<512x512xf32> to vector<512x511xf32>
    %slice3A_78 = vector.extract_strided_slice %div3A_76 {offsets = [0, 0], sizes = [512, 511], strides = [1, 1]} : vector<512x512xf32> to vector<512x511xf32>
    %sub3A_79 = arith.subf %slice3A_77, %slice3A_78 : vector<512x511xf32>
    %abs3A_80 = math.absf %sub3A_79 : vector<512x511xf32>
    %reduce_sum3A_81 = vector.shape_cast %abs3A_80 : vector<512x511xf32> to vector<1x512x511xf32>
    %reduce_sum3A_82 = arith.constant dense<0.000000e+00> : vector<1xf32>
    %reduce_sum3A_83 = vector.multi_reduction <add>, %reduce_sum3A_81, %reduce_sum3A_82 [1, 2] : vector<1x512x511xf32> to vector<1xf32>
    %reduce_sum3A_84 = vector.shape_cast %reduce_sum3A_83 : vector<1xf32> to vector<1x1x1xf32>
    %reduce_sum3A_85 = vector.extract %reduce_sum3A_84[0, 0, 0] : f32 from vector<1x1x1xf32>
    %slice3A_86 = vector.extract_strided_slice %div3A_76 {offsets = [1, 0], sizes = [511, 512], strides = [1, 1]} : vector<512x512xf32> to vector<511x512xf32>
    %slice3A_87 = vector.extract_strided_slice %div3A_76 {offsets = [0, 0], sizes = [511, 512], strides = [1, 1]} : vector<512x512xf32> to vector<511x512xf32>
    %sub3A_88 = arith.subf %slice3A_86, %slice3A_87 : vector<511x512xf32>
    %abs3A_89 = math.absf %sub3A_88 : vector<511x512xf32>
    %reduce_sum3A_90 = vector.shape_cast %abs3A_89 : vector<511x512xf32> to vector<1x511x512xf32>
    %reduce_sum3A_91 = arith.constant dense<0.000000e+00> : vector<1xf32>
    %reduce_sum3A_92 = vector.multi_reduction <add>, %reduce_sum3A_90, %reduce_sum3A_91 [1, 2] : vector<1x511x512xf32> to vector<1xf32>
    %reduce_sum3A_93 = vector.shape_cast %reduce_sum3A_92 : vector<1xf32> to vector<1x1x1xf32>
    %reduce_sum3A_94 = vector.extract %reduce_sum3A_93[0, 0, 0] : f32 from vector<1x1x1xf32>
    %add3A_95 = arith.addf %reduce_sum3A_85, %reduce_sum3A_94 : f32
    %add3A_96 = arith.addf %add3A_61, %add3A_95 : f32
    %get3A_97 = arith.constant 0 : index
    %get3A_98 = arith.constant 0 : index
    %get3A_99 = arith.constant 0 : index
    %get3A_100 = vector.load %arg4[%get3A_97, %get3A_98, %get3A_99] : memref<1x512x512xf32, #tpu.memory_space<vmem>>, vector<1x512x512xf32>
    %get3A_101 = vector.shape_cast %get3A_100 : vector<1x512x512xf32> to vector<512x512xf32>
    %neg3A_102 = arith.constant 0.000000e+00 : f32
    %neg3A_103 = vector.broadcast %neg3A_102 : f32 to vector<512x512xf32>
    %neg3A_104 = arith.subf %neg3A_103, %get3A_101 : vector<512x512xf32>
    %exp3A_105 = math.exp %neg3A_104 : vector<512x512xf32>
    %add3A_106 = arith.constant 1.000000e+00 : f32
    %add3A_107 = vector.broadcast %add3A_106 : f32 to vector<512x512xf32>
    %add3A_108 = arith.addf %add3A_107, %exp3A_105 : vector<512x512xf32>
    %div3A_109 = arith.constant 1.000000e+00 : f32
    %div3A_110 = vector.broadcast %div3A_109 : f32 to vector<512x512xf32>
    %div3A_111 = arith.divf %div3A_110, %add3A_108 : vector<512x512xf32>
    %slice3A_112 = vector.extract_strided_slice %div3A_111 {offsets = [0, 1], sizes = [512, 511], strides = [1, 1]} : vector<512x512xf32> to vector<512x511xf32>
    %slice3A_113 = vector.extract_strided_slice %div3A_111 {offsets = [0, 0], sizes = [512, 511], strides = [1, 1]} : vector<512x512xf32> to vector<512x511xf32>
    %sub3A_114 = arith.subf %slice3A_112, %slice3A_113 : vector<512x511xf32>
    %abs3A_115 = math.absf %sub3A_114 : vector<512x511xf32>
    %reduce_sum3A_116 = vector.shape_cast %abs3A_115 : vector<512x511xf32> to vector<1x512x511xf32>
    %reduce_sum3A_117 = arith.constant dense<0.000000e+00> : vector<1xf32>
    %reduce_sum3A_118 = vector.multi_reduction <add>, %reduce_sum3A_116, %reduce_sum3A_117 [1, 2] : vector<1x512x511xf32> to vector<1xf32>
    %reduce_sum3A_119 = vector.shape_cast %reduce_sum3A_118 : vector<1xf32> to vector<1x1x1xf32>
    %reduce_sum3A_120 = vector.extract %reduce_sum3A_119[0, 0, 0] : f32 from vector<1x1x1xf32>
    %slice3A_121 = vector.extract_strided_slice %div3A_111 {offsets = [1, 0], sizes = [511, 512], strides = [1, 1]} : vector<512x512xf32> to vector<511x512xf32>
    %slice3A_122 = vector.extract_strided_slice %div3A_111 {offsets = [0, 0], sizes = [511, 512], strides = [1, 1]} : vector<512x512xf32> to vector<511x512xf32>
    %sub3A_123 = arith.subf %slice3A_121, %slice3A_122 : vector<511x512xf32>
    %abs3A_124 = math.absf %sub3A_123 : vector<511x512xf32>
    %reduce_sum3A_125 = vector.shape_cast %abs3A_124 : vector<511x512xf32> to vector<1x511x512xf32>
    %reduce_sum3A_126 = arith.constant dense<0.000000e+00> : vector<1xf32>
    %reduce_sum3A_127 = vector.multi_reduction <add>, %reduce_sum3A_125, %reduce_sum3A_126 [1, 2] : vector<1x511x512xf32> to vector<1xf32>
    %reduce_sum3A_128 = vector.shape_cast %reduce_sum3A_127 : vector<1xf32> to vector<1x1x1xf32>
    %reduce_sum3A_129 = vector.extract %reduce_sum3A_128[0, 0, 0] : f32 from vector<1x1x1xf32>
    %add3A_130 = arith.addf %reduce_sum3A_120, %reduce_sum3A_129 : f32
    %add3A_131 = arith.addf %add3A_96, %add3A_130 : f32
    %eq3A = arith.constant 0 : i32
    %eq3A_132 = arith.cmpi eq, %arg0, %eq3A : i32
    %convert_element_type3A = arith.extui %eq3A_132 : i1 to i32
    %cond3A = arith.constant 0 : i32
    %cond3A_133 = arith.cmpi ne, %convert_element_type3A, %cond3A : i32
    scf.if %cond3A_133 {
      %broadcast_in_dim3A = arith.constant 0.000000e+00 : f32
      %broadcast_in_dim3A_141 = vector.broadcast %broadcast_in_dim3A : f32 to vector<1x1xf32>
      %swap3A_142 = arith.constant 0 : index
      %swap3A_143 = arith.constant 0 : index
      %swap3A_144 = vector.load %arg5[%swap3A_142, %swap3A_143] : memref<1x1xf32, #tpu.memory_space<vmem>>, vector<1x1xf32>
      tpu.vector_store %arg5[%swap3A_142, %swap3A_143], %broadcast_in_dim3A_141 {strides = array<i32>} : memref<1x1xf32, #tpu.memory_space<vmem>>, vector<1x1xf32>,
    } else {
    }
    %get3A_134 = arith.constant 0 : index
    %get3A_135 = arith.constant 0 : index
    %get3A_136 = vector.load %arg5[%get3A_134, %get3A_135] : memref<1x1xf32, #tpu.memory_space<vmem>>, vector<1x1xf32>
    %add3A_137 = vector.broadcast %add3A_131 : f32 to vector<1x1xf32>
    %add3A_138 = arith.addf %get3A_136, %add3A_137 : vector<1x1xf32>
    %swap3A = arith.constant 0 : index
    %swap3A_139 = arith.constant 0 : index
    %swap3A_140 = vector.load %arg5[%swap3A, %swap3A_139] : memref<1x1xf32, #tpu.memory_space<vmem>>, vector<1x1xf32>
    tpu.vector_store %arg5[%swap3A, %swap3A_139], %add3A_138 {strides = array<i32>} : memref<1x1xf32, #tpu.memory_space<vmem>>, vector<1x1xf32>,
    return
  }
  func.func @transform_0(%arg0: i32) -> (i32, i32, i32) {
    %mul3A = arith.constant 4 : i32
    %mul3A_0 = arith.muli %arg0, %mul3A : i32
    %add3A = arith.constant 0 : i32
    %add3A_1 = arith.addi %mul3A_0, %add3A : i32
    %c0_i32 = arith.constant 0 : i32
    %c0_i32_2 = arith.constant 0 : i32
    %c0_i32_3 = arith.constant 0 : i32
    return %add3A_1, %c0_i32, %c0_i32_2 : i32, i32, i32
  }
  func.func @transform_1(%arg0: i32) -> (i32, i32, i32) {
    %mul3A = arith.constant 4 : i32
    %mul3A_0 = arith.muli %arg0, %mul3A : i32
    %add3A = arith.constant 1 : i32
    %add3A_1 = arith.addi %mul3A_0, %add3A : i32
    %c0_i32 = arith.constant 0 : i32
    %c0_i32_2 = arith.constant 0 : i32
    %c0_i32_3 = arith.constant 0 : i32
    return %add3A_1, %c0_i32, %c0_i32_2 : i32, i32, i32
  }
  func.func @transform_2(%arg0: i32) -> (i32, i32, i32) {
    %mul3A = arith.constant 4 : i32
    %mul3A_0 = arith.muli %arg0, %mul3A : i32
    %add3A = arith.constant 2 : i32
    %add3A_1 = arith.addi %mul3A_0, %add3A : i32
    %c0_i32 = arith.constant 0 : i32
    %c0_i32_2 = arith.constant 0 : i32
    %c0_i32_3 = arith.constant 0 : i32
    return %add3A_1, %c0_i32, %c0_i32_2 : i32, i32, i32
  }
  func.func @transform_3(%arg0: i32) -> (i32, i32, i32) {
    %mul3A = arith.constant 4 : i32
    %mul3A_0 = arith.muli %arg0, %mul3A : i32
    %add3A = arith.constant 3 : i32
    %add3A_1 = arith.addi %mul3A_0, %add3A : i32
    %c0_i32 = arith.constant 0 : i32
    %c0_i32_2 = arith.constant 0 : i32
    %c0_i32_3 = arith.constant 0 : i32
    return %add3A_1, %c0_i32, %c0_i32_2 : i32, i32, i32
  }
  func.func @transform_4(%arg0: i32) -> (i32, i32) {
    %c0_i32 = arith.constant 0 : i32
    %c0_i32_0 = arith.constant 0 : i32
    %c0_i32_1 = arith.constant 0 : i32
    return %c0_i32, %c0_i32_0 : i32, i32
  }
}

</mosaic_0001>

<sc_bundles>
// kernel: kernel.5.cloned.1.call-start
scs
__scs_entry_jumppad:
0x0: {  	(pc) =	sbr.rel $0x88, $3  }
0x1: {  	(tag) =	ssettag $0x0;
	lr =	simm.s32 $0x1  }
0x2: {  	[smem:$0x3F9E] =	sst lr;
	_ =	strace $0xD0000000  }
0x3: {  	_ = 	snop  }
0x4: {  	_ = 	snop  }
0x5: {  	_ = 	snop  }
0x6: {  	_ = 	snop  }
0x7: {  	_ = 	snop  }
__scs_overlays_trampoline_lowered:
0x8: {  	[smem:$0x3FAD] =	sst s0  }
0x9: {  	[smem:$0x3FAE] =	sst s1  }
0xa: {  	[smem:$0x3FAF] =	sst s2  }
0xb: {  	[smem:$0x3FB0] =	sst s3  }
0xc: {  	[smem:$0x3FB1] =	sst s4  }
0xd: {  	[smem:$0x3FB2] =	sst s5  }
0xe: {  	[smem:$0x3FB3] =	sst s6  }
0xf: {  	[smem:$0x3FB4] =	sst s7  }
0x10: {  	[smem:$0x3FB5] =	sst s8  }
0x11: {  	[smem:$0x3FB6] =	sst s9;
	s0 =	simm.s32 @!p0 $0x0  }
0x12: {  	s1 =	sld [smem:$0x3F9C];
	s0 =	simm.s32 @p0 $0x1  }
0x13: {  	[smem:$0x3FB7] =	sst s0;
	s0 =	simm.s32 @!p1 $0x0  }
0x14: {  	s2 =	sld [smem:$0x3F9B];
	s0 =	simm.s32 @p1 $0x1  }
0x15: {  	[smem:$0x3FB8] =	sst s0;
	s0 =	simm.s32 @!p2 $0x0  }
0x16: {  	s3 =	sld [smem:$0x3FDB];
	s0 =	simm.s32 @p2 $0x1  }
0x17: {  	s4 =	simm.s32 $0x1BF5;
	[smem:$0x3FBA] =	sst s0  }
0x18: {  	s0 =	sld [smem:$0x3F9D];
	_ =	swait.ge [sflag:s4], $0x0  }
0x19: {  	s7 =	sld [smem:$0x3F9E]  }
0x1a: {  	s8 =	sadd.s32 $0xFFFFE003, lr  }
0x1b: {  	s9 =	sadd.s32 $0xFFFFFEF7, lr;
	s5 =	simm.s32 $0xFFFFFFFF;
	p2 =	slt.u32 s8, $0xFFFFF086  }
0x1c: {  	p1 =	slt.u32 s9, $0xF7A;
	s5 =	simm.s32 @!p2 $0x0  }
0x1d: {  	s5 =	simm.s32 @p1 $0x1;
	p0 =	seq.s32 s7, s2  }
0x1e: {  	s7 =	smul.u32 @!p0 $0xF7A, s2;
	p2 =	seq.s32 @!p0 s5, $0x0  }
0x1f: {  	s9 =	smul.u32 $0xF7A, s1;
	s8 =	simm.s32 @!p0 $0x1BF5;
	p2 =	por !p2, p0  }
0x20: {  	[sflag:s8] =	ssyncset.s32 @!p0 $0xFFFFF086;
	s6 =	sadd.s32 @!p0 s3, s7;
	s7 =	simm.s32 @!p0 $0x108  }
0x21: {  	s3 =	sadd.s32 s3, s9;
	s6 =	sadd.s32 @!p0 $0x88, s6;
	s7 =	simm.s32 @p2 $0x1082  }
0x22: {  	[simem:s7], [sflag:s8] =	dma.local @!p0 [hbm:s6], $0xF7A  }
0x23: {  	s9 =	sor.u32 $0xD0000000, s2;
	s6 =	simm.s32 $0x108;
	_ =	swait.ge @!p0 [sflag:s8], $0x0  }
0x24: {  	s3 =	sadd.s32 $0x88, s3;
	s6 =	simm.s32 @!p1 $0x1082;
	[sflag:s4] =	ssyncset.s32 $0xFFFFF086  }
0x25: {  	[simem:s6], [sflag:s4] =	dma.local [hbm:s3], $0xF7A  }
0x26: {  	[smem:$0x3F9E] =	sst s1;
	(tag) =	ssettag s2;
	_ =	strace s9  }
0x27: {  	s1 =	sld [smem:$0x3FAE]  }
0x28: {  	s2 =	sld [smem:$0x3FAF]  }
0x29: {  	s4 =	sld [smem:$0x3FB1]  }
0x2a: {  	p0 =	seq.s32 s5, $0x0;
	s5 =	sld [smem:$0x3FB2]  }
0x2b: {  	s6 =	sld [smem:$0x3FB3]  }
0x2c: {  	s7 =	sld [smem:$0x3FB4]  }
0x2d: {  	s3 =	simm.s32 $0x108;
	s8 =	sld [smem:$0x3FB5]  }
0x2e: {  	s3 =	simm.s32 @!p0 $0x1082;
	s9 =	sld [smem:$0x3FB6]  }
0x2f: {  	lr =	sadd.s32 s0, s3;
	s0 =	sld [smem:$0x3FAD]  }
0x30: {  	s3 =	sld [smem:$0x3FB0]  }
0x31: {  	[smem:$0x3FB9] =	sst s10  }
0x32: {  	s10 =	sld [smem:$0x3FB7];
	_ =	sdelay $0x3  }
0x33: {  	p0 =	seq.s32 s10, $0x1;
	s10 =	sld [smem:$0x3FB9];
	_ =	sdelay $0x3  }
0x34: {  	[smem:$0x3FB9] =	sst s10  }
0x35: {  	s10 =	sld [smem:$0x3FB8];
	_ =	sdelay $0x3  }
0x36: {  	p1 =	seq.s32 s10, $0x1;
	s10 =	sld [smem:$0x3FB9];
	_ =	sdelay $0x3  }
0x37: {  	[smem:$0x3FB9] =	sst s10  }
0x38: {  	s10 =	sld [smem:$0x3FBA]  }
0x39: {  	_ = 	snop;
	(pc) =	sbr.ind lr, $3  }
0x3a: {  	_ = 	snop  }
0x3b: {  	_ = 	snop  }
0x3c: {  	p2 =	seq.s32 s10, $0x1;
	s10 =	sld [smem:$0x3FB9]  }
0x3d: {  	_ =	shalt  }
0x3e: {  	_ =	shalt  }
0x3f: {  	_ =	shalt  }
0x40: {  	_ =	shalt  }
0x41: {  	_ =	shalt  }
0x42: {  	_ =	shalt  }
0x43: {  	_ =	shalt  }
0x44: {  	_ =	shalt  }
0x45: {  	_ =	shalt  }
0x46: {  	_ =	shalt  }
0x47: {  	_ =	shalt  }
0x48: {  	_ =	shalt  }
0x49: {  	_ =	shalt  }
0x4a: {  	_ =	shalt  }
0x4b: {  	_ =	shalt  }
0x4c: {  	_ =	shalt  }
0x4d: {  	_ =	shalt  }
0x4e: {  	_ =	shalt  }
0x4f: {  	_ =	shalt  }
0x50: {  	_ =	shalt  }
0x51: {  	_ =	shalt  }
0x52: {  	_ =	shalt  }
0x53: {  	_ =	shalt  }
0x54: {  	_ =	shalt  }
0x55: {  	_ =	shalt  }
0x56: {  	_ =	shalt  }
0x57: {  	_ =	shalt  }
0x58: {  	_ =	shalt  }
0x59: {  	_ =	shalt  }
0x5a: {  	_ =	shalt  }
0x5b: {  	_ =	shalt  }
0x5c: {  	_ =	shalt  }
0x5d: {  	_ =	shalt  }
0x5e: {  	_ =	shalt  }
0x5f: {  	_ =	shalt  }
0x60: {  	_ =	shalt  }
0x61: {  	_ =	shalt  }
0x62: {  	_ =	shalt  }
0x63: {  	_ =	shalt  }
0x64: {  	_ =	shalt  }
0x65: {  	_ =	shalt  }
0x66: {  	_ =	shalt  }
0x67: {  	_ =	shalt  }
0x68: {  	_ =	shalt  }
0x69: {  	_ =	shalt  }
0x6a: {  	_ =	shalt  }
0x6b: {  	_ =	shalt  }
0x6c: {  	_ =	shalt  }
0x6d: {  	_ =	shalt  }
0x6e: {  	_ =	shalt  }
0x6f: {  	_ =	shalt  }
0x70: {  	_ =	shalt  }
0x71: {  	_ =	shalt  }
0x72: {  	_ =	shalt  }
0x73: {  	_ =	shalt  }
0x74: {  	_ =	shalt  }
0x75: {  	_ =	shalt  }
0x76: {  	_ =	shalt  }
0x77: {  	_ =	shalt  }
0x78: {  	_ =	shalt  }
0x79: {  	_ =	shalt  }
0x7a: {  	_ =	shalt  }
0x7b: {  	_ =	shalt  }
0x7c: {  	_ =	shalt  }
0x7d: {  	_ =	shalt  }
0x7e: {  	_ =	shalt  }
0x7f: {  	_ =	shalt  }
0x80: {  	_ =	shalt  }
0x81: {  	_ =	shalt  }
0x82: {  	_ =	shalt  }
0x83: {  	_ =	shalt  }
0x84: {  	_ =	shalt  }
0x85: {  	_ =	shalt  }
0x86: {  	_ =	shalt  }
0x87: {  	_ =	shalt  }
.Lfunc_end0:
.L_simem_size_0:
called_computation_lowered:
.L_overlay_start_0:
0x88: {  	s2 =	sld [smem:$0x3FD9]  }
0x89: {  	s3 =	sld [smem:$0x3FFE];
	_ =	sdelay $0x1  }
0x8a: {  	s1 =	srdreg.scid  }
0x8b: {  	s0 =	sand.u32 $0x1, s1  }
0x8c: {  	s17 =	sshll.u32 s0, $0xA;
	s2 =	sadd.s32 s3, s2  }
0x8d: {  	s2 =	sadd.s32 s2, s17  }
0x8e: {  	[smem:$0x3FC5] =	sst s2  }
0x8f: {  	_ = 	snop  }
0x90: {  	s2 =	sld [smem:$0x3FC9];
	(tm) =	ssettm $0x1  }
0x91: {  	s18 =	sld [smem:$0x3FFB];
	_ =	sdelay $0x3  }
0x92: {  	_ =	strace s18  }
0x93: {  	s3 =	sld [smem:$0x3FFC];
	_ =	sdelay $0x3  }
0x94: {  	_ =	strace s3  }
0x95: {  	s3 =	sld [smem:$0x3FFD];
	_ =	sdelay $0x3  }
0x96: {  	_ =	strace s3  }
0x97: {  	_ =	strace $0x8FFFFFFF  }
0x98: {  	s19 =	sld [smem:$0x3FDB];
	_ =	sdelay $0x1  }
0x99: {  	s4 =	simm.s32 $_scs_section_size  }
0x9a: {  	s5 =	simm.s32 $_size__tile_overlayer_lowered;
	s6 =	simm.s32 $_tile_overlayer_lowered  }
0x9b: {  	s22 =	simm.s32 $0x1BFF;
	s21 =	sshll.u32 s6, $0x1;
	s3 =	sadd.s32 s4, s19  }
0x9c: {  	s7 =	simm.s32 $0x0;
	s20 =	sshll.u32 s5, $0x1;
	s5 =	sadd.s32 s21, s3  }
0x9d: {  	[timem:s7], [sflag:s22] =	dma.local [hbm:s5], s20  }
0x9e: {  	_ =	swait.ge [sflag:s22], s20  }
0x9f: {  	s4 =	ssub.s32 $0x0, s20;
	[sflag:s22] =	ssyncset.done $0x0  }
0xa0: {  	[sflag:s22] =	ssyncadd.s32 s4;
	_ =	sdelay $0x1  }
0xa1: {  	s23 =	simm.s32 $0x1B8B  }
0xa2: {  	_ =	swait.ge [sflag:s23], $0x1  }
0xa3: {  	[sflag:s23] =	ssyncset.done $0x0  }
0xa4: {  	s25 =	simm.s32 $0x1B8E;
	s24 =	sld [smem:$0x3FFE];
	[sflag:s23] =	ssyncadd.s32 $0xFFFFFFFF  }
0xa5: {  	s26 =	simm.s32 $execute0_lowered;
	[smem:$0x3FD2] =	sst s25  }
0xa6: {  	s5 =	sshll.u32 s26, $0x1;
	_ =	strace $0x80000046;
	[dreg:$0x1] =	wrdreg $0xFFFFFFFF  }
0xa7: {  	s28 =	simm.s32 $_size_execute0_lowered;
	s3 =	sadd.s32 s3, s5;
	[dreg:$0x0] =	wrdreg $0x0  }
0xa8: {  	s5 =	sshll.u32 s28, $0x1;
	[dreg:$0x2] =	wrdreg s3  }
0xa9: {  	[dreg:$0x3] =	wrdreg s5  }
0xaa: {  	[dreg:$0x4] =	wrdreg $0xC0  }
0xab: {  	_ =	task [dreg:s7], $0x5FFFF  }
0xac: {  	[dreg:$0x1] =	wrdreg $0xFFFFFFFF  }
0xad: {  	[dreg:$0x0] =	wrdreg $0x60  }
0xae: {  	[dreg:$0x2] =	wrdreg s2  }
0xaf: {  	[dreg:$0x3] =	wrdreg s24  }
0xb0: {  	[dreg:$0x4] =	wrdreg $0x9  }
0xb1: {  	_ =	task.clear_ibuf [dreg:s7], $0x5FFFF;
	_ =	strace $0x90000046  }
0xb2: {  	s29 =	simm.s32 $0x9;
	_ =	strace $0x80000048  }
0xb3: {  	_ =	swait.ge [sflag:s29], $0x1  }
0xb4: {  	[sflag:s29] =	ssyncadd.s32 $0xFFFFFFFF  }
0xb5: {  	_ =	strace $0x90000048  }
0xb6: {  	_ =	sfence  }
0xb7: {  	s30 =	sld [smem:$0x0];
	_ =	sdelay $0x2  }
0xb8: {  	s31 =	sshll.u32 s1, $0xD;
	s1 =	sshrl.u32 s1, $0x2  }
0xb9: {  	s3 =	sand.u32 $0x4000, s31;
	s1 =	sadd.s32 s1, s30  }
0xba: {  	s0 =	sor.u32 s3, s0;
	s1 =	sshll.u32 s1, $0x11  }
0xbb: {  	s0 =	sor.u32 s1, s0  }
0xbc: {  	s0 =	sadd.s32 $0x8F2B, s0  }
0xbd: {  	[sflag:s0] =	ssyncadd.remote.s32 $0x1  }
0xbe: {  	_ =	sfence.sel $0xFFFF  }
0xbf: {  	[dreg:$0x0] =	wrdreg $0xFFFFFFFF;
	(pc) =	sbr.abs _section_cstart, $3  }
0xc0: {  	[dreg:$0x1] =	wrdreg $0xFFFFFFFF  }
0xc1: {  	_ =	task.clear_ibuf [dreg:s7], $0x2FFFF;
	_ =	strace $0x9FFFFFFF  }
0xc2: {  	(tm) =	ssettm $0x7FFFFFFF  }
0xc3: {  	_ =	shalt  }
tec
execute0_lowered:
.L_overlay_start_1:
0x0: {  	(tag) =	ssettag $0x1  }
0x1: {  	v11 =	vlaneseq.u32  }
0x2: {  	vm0 =	vmmov $0xffff;
	v12 =	vimm.s32 $0x1380;
	vm15 =	vcmask $0x300  }
0x3: {  	v13 =	vimm.s32 $0x3380;
	vm14 =	vcmask $0x704;
	vm13 =	vcmask $0xB08  }
0x4: {  	vm12 =	vcmask $0xF0C;
	vm11 =	vcmask $0x1310;
	vm10 =	vcmask $0x1714  }
0x5: {  	vm9 =	vcmask $0x1B18;
	vm8 =	vcmask $0x1F1C;
	vm7 =	vcmask $0x2320  }
0x6: {  	vm6 =	vcmask $0x2724;
	vm5 =	vcmask $0x2B28;
	vm4 =	vcmask $0x2F2C  }
0x7: {  	vm2 =	vcmask $0x3330;
	vm3 =	vcmask $0x3734;
	vm1 =	vcmask $0x3B38  }
0x8: {  	v14 =	vimm.s32 $0x5380;
	v15 =	vimm.s32 $0x7380;
	v16 =	vimm.s32 $0x9380  }
0x9: {  	v17 =	vimm.s32 $0xB380;
	v18 =	vimm.s32 $0xD380;
	v19 =	vimm.s32 $0xF380  }
0xa: {  	v3 =	vor.u32 $0x20, v11;
	v4 =	vor.u32 $0x30, v11;
	v5 =	vor.u32 $0x40, v11  }
0xb: {  	v6 =	vor.u32 $0x50, v11;
	v7 =	vor.u32 $0x60, v11;
	v9 =	vor.u32 $0x70, v11  }
0xc: {  	v10 =	vshrl.u32 v11, $0x3;
	v12 =	vsel vm15, $0x0, v12;
	v13 =	vsel vm15, $0x2000, v13  }
0xd: {  	s0 =	stileid.u32;
	v14 =	vsel vm15, $0x4000, v14;
	v15 =	vsel vm15, $0x6000, v15;
	v16 =	vsel vm15, $0x8000, v16  }
0xe: {  	s5 =	sshrl.u32 s0, $0x1;
	v17 =	vsel vm15, $0xA000, v17;
	v18 =	vsel vm15, $0xC000, v18;
	v19 =	vsel vm15, $0xE000, v19  }
0xf: {  	v1 =	vmov s5;
	v10 =	vmul.u32 $0x8, v10;
	v12 =	vsel vm14, $0x80, v12  }
0x10: {  	v13 =	vsel vm14, $0x2080, v13;
	v14 =	vsel vm14, $0x4080, v14;
	v15 =	vsel vm14, $0x6080, v15  }
0x11: {  	v16 =	vsel vm14, $0x8080, v16;
	v17 =	vsel vm14, $0xA080, v17;
	v18 =	vsel vm14, $0xC080, v18  }
0x12: {  	v19 =	vsel vm14, $0xE080, v19;
	v1 =	vshll.u32 v1, $0x7;
	v12 =	vsel vm13, $0x100, v12  }
0x13: {  	s1 =	srdreg.scid;
	v13 =	vsel vm13, $0x2100, v13;
	v14 =	vsel vm13, $0x4100, v14;
	v15 =	vsel vm13, $0x6100, v15  }
0x14: {  	s2 =	sand.u32 $0x1, s1;
	v16 =	vsel vm13, $0x8100, v16;
	v17 =	vsel vm13, $0xA100, v17;
	v18 =	vsel vm13, $0xC100, v18  }
0x15: {  	s14 =	sshll.u32 s0, $0x8;
	s3 =	sshll.u32 s2, $0x7;
	v19 =	vsel vm13, $0xE100, v19;
	v12 =	vsel vm12, $0x180, v12;
	v13 =	vsel vm12, $0x2180, v13  }
0x16: {  	s4 =	sor.u32 s3, s14;
	v14 =	vsel vm12, $0x4180, v14;
	v15 =	vsel vm12, $0x6180, v15;
	v16 =	vsel vm12, $0x8180, v16  }
0x17: {  	s3 =	sand.u32 $0x180, s4;
	v17 =	vsel vm12, $0xA180, v17;
	v18 =	vsel vm12, $0xC180, v18;
	v19 =	vsel vm12, $0xE180, v19  }
0x18: {  	v0 =	vmov s3;
	v12 =	vsel vm11, $0x200, v12;
	v13 =	vsel vm11, $0x2200, v13  }
0x19: {  	v14 =	vsel vm11, $0x4200, v14;
	v15 =	vsel vm11, $0x6200, v15;
	v16 =	vsel vm11, $0x8200, v16  }
0x1a: {  	v17 =	vsel vm11, $0xA200, v17;
	v18 =	vsel vm11, $0xC200, v18;
	v19 =	vsel vm11, $0xE200, v19  }
0x1b: {  	v2 =	vshrl.u32 v0, $0x7;
	v0 =	vshll.u32 v0, $0x3;
	v12 =	vsel vm10, $0x280, v12  }
0x1c: {  	v13 =	vsel vm10, $0x2280, v13;
	v14 =	vsel vm10, $0x4280, v14;
	v15 =	vsel vm10, $0x6280, v15  }
0x1d: {  	v16 =	vsel vm10, $0x8280, v16;
	v17 =	vsel vm10, $0xA280, v17;
	v18 =	vsel vm10, $0xC280, v18  }
0x1e: {  	v19 =	vsel vm10, $0xE280, v19;
	v2 =	vshll.u32 v2, $0xA;
	v0 =	vor.u32 v1, v0  }
0x1f: {  	v12 =	vsel vm9, $0x300, v12;
	v13 =	vsel vm9, $0x2300, v13;
	v14 =	vsel vm9, $0x4300, v14  }
0x20: {  	v15 =	vsel vm9, $0x6300, v15;
	v16 =	vsel vm9, $0x8300, v16;
	v17 =	vsel vm9, $0xA300, v17  }
0x21: {  	s1 =	sand.u32 $0xE00, s14;
	v18 =	vsel vm9, $0xC300, v18;
	v19 =	vsel vm9, $0xE300, v19;
	v2 =	vor.u32 v1, v2  }
0x22: {  	v8 =	vbroadcast v0, $0x0;
	v1 =	vmov s1;
	v12 =	vsel vm8, $0x380, v12  }
0x23: {  	v13 =	vsel vm8, $0x2380, v13;
	v14 =	vsel vm8, $0x4380, v14;
	v15 =	vsel vm8, $0x6380, v15  }
0x24: {  	v16 =	vsel vm8, $0x8380, v16;
	v17 =	vsel vm8, $0xA380, v17;
	v18 =	vsel vm8, $0xC380, v18  }
0x25: {  	v19 =	vsel vm8, $0xE380, v19;
	v2 =	vbroadcast v2, $0x0;
	v12 =	vsel vm7, $0x1000, v12  }
0x26: {  	v13 =	vsel vm7, $0x3000, v13;
	v14 =	vsel vm7, $0x5000, v14;
	v15 =	vsel vm7, $0x7000, v15  }
0x27: {  	s15 =	rddreg [dreg:$0x1];
	s16 =	simm.s32 $0x2900;
	s17 =	simm.s32 $0x3100;
	v16 =	vsel vm7, $0x9000, v16;
	v17 =	vsel vm7, $0xB000, v17;
	v18 =	vsel vm7, $0xD000, v18  }
0x28: {  	s18 =	simm.s32 $0x3900;
	s20 =	simm.s32 $0x4100;
	s3 =	simm.s32 $0x0;
	v19 =	vsel vm7, $0xF000, v19;
	v3 =	vor.u32 v3, v8;
	v4 =	vor.u32 v4, v8  }
0x29: {  	s21 =	simm.s32 $0x4900;
	s6 =	sadd.s32 $0xA00, s15;
	[smem:$0x7FF] =	sst s3;
	v5 =	vor.u32 v5, v8;
	v6 =	vor.u32 v6, v8;
	v7 =	vor.u32 v7, v8  }
0x2a: {  	s5 =	sadd.s32 $0xC00, s15;
	s4 =	sshrl.u32 s4, $0x3;
	s1 =	rddreg [dreg:$0x0];
	v12 =	vsel vm6, $0x1080, v12;
	v13 =	vsel vm6, $0x3080, v13;
	v14 =	vsel vm6, $0x5080, v14  }
0x2b: {  	s4 =	sadd.s32 s4, s15;
	_ =	strace $0x80000047;
	[dreg:$0x3] =	wrdreg s6;
	v15 =	vsel vm6, $0x7080, v15;
	v16 =	vsel vm6, $0x9080, v16;
	v17 =	vsel vm6, $0xB080, v17  }
0x2c: {  	s22 =	simm.s32 $0x5100;
	s4 =	sadd.s32 $0xE00, s4;
	[dreg:$0x4] =	wrdreg s5;
	v18 =	vsel vm6, $0xD080, v18;
	v19 =	vsel vm6, $0xF080, v19;
	v0 =	vor.u32 v11, v2  }
0x2d: {  	s23 =	simm.s32 $0x5900;
	s24 =	simm.s32 $0x6100;
	[dreg:$0x5] =	wrdreg s4;
	v2 =	vor.u32 $0x10, v11;
	v12 =	vsel vm5, $0x1100, v12;
	v13 =	vsel vm5, $0x3100, v13  }
0x2e: {  	s7 =	simm.s32 $0x1;
	s25 =	simm.s32 $0x6900;
	[dreg:$0x6] =	wrdreg s16;
	v14 =	vsel vm5, $0x5100, v14;
	v15 =	vsel vm5, $0x7100, v15;
	v16 =	vsel vm5, $0x9100, v16  }
0x2f: {  	s8 =	simm.s32 $0x2100;
	s26 =	simm.s32 $0x7100;
	[dreg:$0x7] =	wrdreg s17;
	v17 =	vsel vm5, $0xB100, v17;
	v18 =	vsel vm5, $0xD100, v18;
	v19 =	vsel vm5, $0xF100, v19  }
0x30: {  	s10 =	simm.s32 $0x8100;
	s11 =	simm.s32 $0x8900;
	[dreg:$0x8] =	wrdreg s18;
	v2 =	vor.u32 v2, v8;
	v8 =	vor.u32 v9, v8;
	v9 =	vand.u32 $0x7, v11  }
0x31: {  	s12 =	simm.s32 $0x9100;
	s13 =	simm.s32 $0x9900;
	[dreg:$0x9] =	wrdreg s20;
	v12 =	vsel vm4, $0x1180, v12;
	v13 =	vsel vm4, $0x3180, v13;
	v11 =	vor.u32 $0x8, v11  }
0x32: {  	s28 =	simm.s32 $0x10900;
	s29 =	simm.s32 $0x11100;
	[dreg:$0xa] =	wrdreg s21;
	v14 =	vsel vm4, $0x5180, v14;
	v15 =	vsel vm4, $0x7180, v15;
	v16 =	vsel vm4, $0x9180, v16  }
0x33: {  	s30 =	simm.s32 $0x11900;
	s2 =	ssub.s32 $0x2, s2;
	[dreg:$0xb] =	wrdreg s22;
	v17 =	vsel vm4, $0xB180, v17;
	v18 =	vsel vm4, $0xD180, v18;
	v19 =	vsel vm4, $0xF180, v19  }
0x34: {  	s31 =	simm.s32 $0x12100;
	s19 =	sshrl.u32 s2, $0x1;
	[dreg:$0xc] =	wrdreg s23;
	v12 =	vsel vm2, $0x1200, v12;
	v13 =	vsel vm2, $0x3200, v13;
	v14 =	vsel vm2, $0x5200, v14  }
0x35: {  	s14 =	simm.s32 $0xA100;
	s2 =	ssub.s32 s2, s19;
	[dreg:$0xd] =	wrdreg s24;
	v15 =	vsel vm2, $0x7200, v15;
	v16 =	vsel vm2, $0x9200, v16;
	v17 =	vsel vm2, $0xB200, v17  }
0x36: {  	s19 =	simm.s32 $0xC900;
	s15 =	simm.s32 $0xA900;
	[dreg:$0xe] =	wrdreg s25;
	v18 =	vsel vm2, $0xD200, v18;
	v19 =	vsel vm2, $0xF200, v19;
	v12 =	vsel vm3, $0x1280, v12  }
0x37: {  	s5 =	smax.u32 s2, $0x1;
	s6 =	simm.s32 $0x1000;
	[dreg:$0xf] =	wrdreg s26;
	v13 =	vsel vm3, $0x3280, v13;
	v14 =	vsel vm3, $0x5280, v14;
	v15 =	vsel vm3, $0x7280, v15  }
0x38: {  	s16 =	simm.s32 $0xB100;
	s17 =	simm.s32 $0xB900;
	s18 =	simm.s32 $0xC100;
	v16 =	vsel vm3, $0x9280, v16;
	v17 =	vsel vm3, $0xB280, v17;
	v18 =	vsel vm3, $0xD280, v18  }
0x39: {  	s20 =	simm.s32 $0xD100;
	s21 =	simm.s32 $0xD900;
	s22 =	simm.s32 $0xE100;
	v19 =	vsel vm3, $0xF280, v19;
	v12 =	vsel vm1, $0x1300, v12;
	v13 =	vsel vm1, $0x3300, v13  }
0x3a: {  	s23 =	simm.s32 $0xE900;
	s24 =	simm.s32 $0xF100;
	s25 =	simm.s32 $0xF900;
	v14 =	vsel vm1, $0x5300, v14;
	v15 =	vsel vm1, $0x7300, v15;
	v16 =	vsel vm1, $0x9300, v16  }
0x3b: {  	s26 =	simm.s32 $0x10100;
	s2 =	simm.s32 $0x2;
	s4 =	sadd.s32 $0x100, s1;
	v17 =	vsel vm1, $0xB300, v17;
	v18 =	vsel vm1, $0xD300, v18;
	v19 =	vsel vm1, $0xF300, v19  }
.LBB2_1:
0x3c: {  	s0 =	rddreg [dreg:$0x3]  }
0x3d: {  	[tilespmem:s3], [sflag:$0x1] =	stream.linear.gather [hbm4b:s0+s3], $0x1000, $0x38;
	[tilespmem:$0x12180] =	vst v63  }
0x3e: {  	s9 =	rddreg [dreg:$0x4]  }
0x3f: {  	[tilespmem:s6], [sflag:$0x1] =	stream.linear.gather [hbm4b:s9+s3], $0x1000, $0x38;
	[tilespmem:$0x12180] =	vst v63  }
0x40: {  	_ =	swait.ge [sflag:s7], $0x1000  }
0x41: {  	[sflag:s7] =	ssyncset.done $0x0  }
0x42: {  	[sflag:s7] =	ssyncadd.s32 $0xFFFFF000  }
0x43: {  	_ =	swait.ge [sflag:s7], $0x1000  }
0x44: {  	[sflag:s7] =	ssyncset.done $0x0  }
0x45: {  	[sflag:s7] =	ssyncadd.s32 $0xFFFFF000  }
0x46: {  	v20 =	vld.idx.msk [tilespmem:v0+s3+$0x0], $0xffff  }
0x47: {  	v21 =	vld.idx.msk [tilespmem:v0+s6+$0x0], $0xffff;
	_ =	sdelay $0x4  }
0x48: {  	vm1 =	vgt.s32 v20, $0x0;
	vm2 =	vgt.s32 v21, $0x0  }
0x49: {  	v20 =	vnsel vm1, $0x0, v20;
	v21 =	vnsel vm2, $0x0, v21  }
0x4a: {  	v20 =	vmin.u32 v20, $0x1FF;
	v21 =	vmin.u32 v21, $0x1FF  }
0x4b: {  	[tilespmem:$0x2000] =	vst v20;
	v20 =	vor.u32 v1, v21  }
0x4c: {  	[tilespmem:$0x2080] =	vst v20  }
0x4d: {  	v20 =	vld.idx.msk [tilespmem:v2+s3+$0x0], $0xffff  }
0x4e: {  	v32 =	vld.idx.msk [tilespmem:v2+s6+$0x0], $0xffff;
	_ =	sdelay $0x4  }
0x4f: {  	vm1 =	vgt.s32 v20, $0x0;
	vm2 =	vgt.s32 v32, $0x0  }
0x50: {  	v20 =	vnsel vm1, $0x0, v20;
	v21 =	vnsel vm2, $0x0, v32  }
0x51: {  	v20 =	vmin.u32 v20, $0x1FF;
	v21 =	vmin.u32 v21, $0x1FF  }
0x52: {  	[tilespmem:$0x2010] =	vst v20;
	v20 =	vor.u32 v1, v21  }
0x53: {  	[tilespmem:$0x2090] =	vst v20  }
0x54: {  	v20 =	vld.idx.msk [tilespmem:v3+s3+$0x0], $0xffff  }
0x55: {  	v33 =	vld.idx.msk [tilespmem:v3+s6+$0x0], $0xffff;
	_ =	sdelay $0x4  }
0x56: {  	vm1 =	vgt.s32 v20, $0x0;
	vm2 =	vgt.s32 v33, $0x0  }
0x57: {  	v20 =	vnsel vm1, $0x0, v20;
	v21 =	vnsel vm2, $0x0, v33  }
0x58: {  	v20 =	vmin.u32 v20, $0x1FF;
	v21 =	vmin.u32 v21, $0x1FF  }
0x59: {  	[tilespmem:$0x2020] =	vst v20;
	v20 =	vor.u32 v1, v21  }
0x5a: {  	[tilespmem:$0x20A0] =	vst v20  }
0x5b: {  	v20 =	vld.idx.msk [tilespmem:v4+s3+$0x0], $0xffff  }
0x5c: {  	v34 =	vld.idx.msk [tilespmem:v4+s6+$0x0], $0xffff;
	_ =	sdelay $0x4  }
0x5d: {  	vm1 =	vgt.s32 v20, $0x0;
	vm2 =	vgt.s32 v34, $0x0  }
0x5e: {  	v20 =	vnsel vm1, $0x0, v20;
	v21 =	vnsel vm2, $0x0, v34  }
0x5f: {  	v20 =	vmin.u32 v20, $0x1FF;
	v21 =	vmin.u32 v21, $0x1FF  }
0x60: {  	[tilespmem:$0x2030] =	vst v20;
	v20 =	vor.u32 v1, v21  }
0x61: {  	[tilespmem:$0x20B0] =	vst v20  }
0x62: {  	v20 =	vld.idx.msk [tilespmem:v5+s3+$0x0], $0xffff  }
0x63: {  	v35 =	vld.idx.msk [tilespmem:v5+s6+$0x0], $0xffff;
	_ =	sdelay $0x4  }
0x64: {  	vm1 =	vgt.s32 v20, $0x0;
	vm2 =	vgt.s32 v35, $0x0  }
0x65: {  	v20 =	vnsel vm1, $0x0, v20;
	v21 =	vnsel vm2, $0x0, v35  }
0x66: {  	v20 =	vmin.u32 v20, $0x1FF;
	v21 =	vmin.u32 v21, $0x1FF  }
0x67: {  	[tilespmem:$0x2040] =	vst v20;
	v20 =	vor.u32 v1, v21  }
0x68: {  	[tilespmem:$0x20C0] =	vst v20  }
0x69: {  	v20 =	vld.idx.msk [tilespmem:v6+s3+$0x0], $0xffff  }
0x6a: {  	v36 =	vld.idx.msk [tilespmem:v6+s6+$0x0], $0xffff;
	_ =	sdelay $0x4  }
0x6b: {  	vm1 =	vgt.s32 v20, $0x0;
	vm2 =	vgt.s32 v36, $0x0  }
0x6c: {  	v20 =	vnsel vm1, $0x0, v20;
	v21 =	vnsel vm2, $0x0, v36  }
0x6d: {  	v20 =	vmin.u32 v20, $0x1FF;
	v21 =	vmin.u32 v21, $0x1FF  }
0x6e: {  	[tilespmem:$0x2050] =	vst v20;
	v20 =	vor.u32 v1, v21  }
0x6f: {  	[tilespmem:$0x20D0] =	vst v20  }
0x70: {  	v20 =	vld.idx.msk [tilespmem:v7+s3+$0x0], $0xffff  }
0x71: {  	v37 =	vld.idx.msk [tilespmem:v7+s6+$0x0], $0xffff;
	_ =	sdelay $0x4  }
0x72: {  	vm1 =	vgt.s32 v20, $0x0;
	vm2 =	vgt.s32 v37, $0x0  }
0x73: {  	v22 =	vld [tilespmem:$0x2080];
	v20 =	vnsel vm1, $0x0, v20;
	v21 =	vnsel vm2, $0x0, v37  }
0x74: {  	v20 =	vmin.u32 v20, $0x1FF;
	v21 =	vmin.u32 v21, $0x1FF  }
0x75: {  	[tilespmem:$0x2060] =	vst v20;
	v20 =	vor.u32 v1, v21  }
0x76: {  	[tilespmem:$0x20E0] =	vst v20  }
0x77: {  	v20 =	vld.idx.msk [tilespmem:v8+s3+$0x0], $0xffff  }
0x78: {  	v23 =	vshll.u32 v22, $0x2;
	v38 =	vld.idx.msk [tilespmem:v8+s6+$0x0], $0xffff  }
0x79: {  	v22 =	vand.u32 $0x7, v22;
	v23 =	vand.u32 $0xFFFFFFE0, v23  }
0x7a: {  	v22 =	vor.u32 v22, v23  }
0x7b: {  	v23 =	vperm.xlane v22, v9;
	_ =	sdelay $0x1  }
0x7c: {  	v23 =	vadd.s32 v10, v23;
	vm1 =	vgt.s32 v20, $0x0;
	vm2 =	vgt.s32 v38, $0x0  }
0x7d: {  	v20 =	vnsel vm1, $0x0, v20;
	v21 =	vnsel vm2, $0x0, v38  }
0x7e: {  	v22 =	vperm.xlane v22, v11;
	v20 =	vmin.u32 v20, $0x1FF;
	v21 =	vmin.u32 v21, $0x1FF  }
0x7f: {  	[tilespmem:$0x2070] =	vst v20;
	v20 =	vor.u32 v1, v21  }
0x80: {  	[tilespmem:$0x20F0] =	vst v20;
	v20 =	vadd.s32 v10, v22  }
0x81: {  	[tilespmem:s8], [sflag:$0x1] =	stream.indirect_vreg.gather [hbm4b:s1+s3], $0x80, v23, vm0, $0xb8;
	[tilespmem:$0x12180] =	vst v63  }
0x82: {  	s0 =	rddreg [dreg:$0x6]  }
0x83: {  	[tilespmem:s0], [sflag:$0x1] =	stream.indirect_vreg.gather [hbm4b:s4+s3], $0x80, v23, vm0, $0xb8;
	[tilespmem:$0x12180] =	vst v63  }
0x84: {  	s9 =	rddreg [dreg:$0x7]  }
0x85: {  	[tilespmem:s9], [sflag:$0x1] =	stream.indirect_vreg.gather [hbm4b:s1+s3], $0x80, v20, vm0, $0xb8;
	[tilespmem:$0x12180] =	vst v63  }
0x86: {  	s0 =	rddreg [dreg:$0x8]  }
0x87: {  	[tilespmem:s0], [sflag:$0x1] =	stream.indirect_vreg.gather [hbm4b:s4+s3], $0x80, v20, vm0, $0xb8;
	[tilespmem:$0x12180] =	vst v63  }
0x88: {  	v20 =	vld [tilespmem:$0x2090];
	_ =	sdelay $0x4  }
0x89: {  	v39 =	vshll.u32 v20, $0x2  }
0x8a: {  	v20 =	vand.u32 $0x7, v20;
	v21 =	vand.u32 $0xFFFFFFE0, v39  }
0x8b: {  	v20 =	vor.u32 v20, v21  }
0x8c: {  	v21 =	vperm.xlane v20, v9;
	_ =	sdelay $0x1  }
0x8d: {  	v21 =	vadd.s32 v10, v21;
	_ =	sdelay $0x1  }
0x8e: {  	v20 =	vperm.xlane v20, v11;
	_ =	sdelay $0x1  }
0x8f: {  	s0 =	rddreg [dreg:$0x9];
	v20 =	vadd.s32 v10, v20  }
0x90: {  	[tilespmem:s0], [sflag:$0x1] =	stream.indirect_vreg.gather [hbm4b:s1+s3], $0x80, v21, vm0, $0xb8;
	[tilespmem:$0x12180] =	vst v63  }
0x91: {  	s9 =	rddreg [dreg:$0xa]  }
0x92: {  	[tilespmem:s9], [sflag:$0x1] =	stream.indirect_vreg.gather [hbm4b:s4+s3], $0x80, v21, vm0, $0xb8;
	[tilespmem:$0x12180] =	vst v63  }
0x93: {  	s0 =	rddreg [dreg:$0xb]  }
0x94: {  	[tilespmem:s0], [sflag:$0x1] =	stream.indirect_vreg.gather [hbm4b:s1+s3], $0x80, v20, vm0, $0xb8;
	[tilespmem:$0x12180] =	vst v63  }
0x95: {  	s9 =	rddreg [dreg:$0xc]  }
0x96: {  	[tilespmem:s9], [sflag:$0x1] =	stream.indirect_vreg.gather [hbm4b:s4+s3], $0x80, v20, vm0, $0xb8;
	[tilespmem:$0x12180] =	vst v63  }
0x97: {  	v20 =	vld [tilespmem:$0x20A0];
	_ =	sdelay $0x4  }
0x98: {  	v40 =	vshll.u32 v20, $0x2  }
0x99: {  	v20 =	vand.u32 $0x7, v20;
	v21 =	vand.u32 $0xFFFFFFE0, v40  }
0x9a: {  	v20 =	vor.u32 v20, v21  }
0x9b: {  	v21 =	vperm.xlane v20, v9;
	_ =	sdelay $0x1  }
0x9c: {  	v21 =	vadd.s32 v10, v21;
	_ =	sdelay $0x1  }
0x9d: {  	v20 =	vperm.xlane v20, v11;
	_ =	sdelay $0x1  }
0x9e: {  	s0 =	rddreg [dreg:$0xd];
	v20 =	vadd.s32 v10, v20  }
0x9f: {  	[tilespmem:s0], [sflag:$0x1] =	stream.indirect_vreg.gather [hbm4b:s1+s3], $0x80, v21, vm0, $0xb8;
	[tilespmem:$0x12180] =	vst v63  }
0xa0: {  	s9 =	rddreg [dreg:$0xe]  }
0xa1: {  	[tilespmem:s9], [sflag:$0x1] =	stream.indirect_vreg.gather [hbm4b:s4+s3], $0x80, v21, vm0, $0xb8;
	[tilespmem:$0x12180] =	vst v63  }
0xa2: {  	s0 =	rddreg [dreg:$0xf]  }
0xa3: {  	[tilespmem:s0], [sflag:$0x1] =	stream.indirect_vreg.gather [hbm4b:s1+s3], $0x80, v20, vm0, $0xb8;
	[tilespmem:$0x12180] =	vst v63  }
0xa4: {  	s9 =	simm.s32 $0x7900  }
0xa5: {  	[tilespmem:s9], [sflag:$0x1] =	stream.indirect_vreg.gather [hbm4b:s4+s3], $0x80, v20, vm0, $0xb8;
	[tilespmem:$0x12180] =	vst v63  }
0xa6: {  	v20 =	vld [tilespmem:$0x20B0];
	_ =	sdelay $0x4  }
0xa7: {  	v41 =	vshll.u32 v20, $0x2  }
0xa8: {  	v20 =	vand.u32 $0x7, v20;
	v21 =	vand.u32 $0xFFFFFFE0, v41  }
0xa9: {  	v20 =	vor.u32 v20, v21  }
0xaa: {  	v21 =	vperm.xlane v20, v9;
	_ =	sdelay $0x1  }
0xab: {  	v21 =	vadd.s32 v10, v21;
	_ =	sdelay $0x1  }
0xac: {  	v20 =	vperm.xlane v20, v11;
	_ =	sdelay $0x1  }
0xad: {  	v20 =	vadd.s32 v10, v20  }
0xae: {  	[tilespmem:s10], [sflag:$0x1] =	stream.indirect_vreg.gather [hbm4b:s1+s3], $0x80, v21, vm0, $0xb8;
	[tilespmem:$0x12180] =	vst v63  }
0xaf: {  	_ = 	snop  }
0xb0: {  	[tilespmem:s11], [sflag:$0x1] =	stream.indirect_vreg.gather [hbm4b:s4+s3], $0x80, v21, vm0, $0xb8;
	[tilespmem:$0x12180] =	vst v63  }
0xb1: {  	_ = 	snop  }
0xb2: {  	[tilespmem:s12], [sflag:$0x1] =	stream.indirect_vreg.gather [hbm4b:s1+s3], $0x80, v20, vm0, $0xb8;
	[tilespmem:$0x12180] =	vst v63  }
0xb3: {  	_ = 	snop  }
0xb4: {  	[tilespmem:s13], [sflag:$0x1] =	stream.indirect_vreg.gather [hbm4b:s4+s3], $0x80, v20, vm0, $0xb8;
	[tilespmem:$0x12180] =	vst v63  }
0xb5: {  	v20 =	vld [tilespmem:$0x20C0];
	_ =	sdelay $0x4  }
0xb6: {  	v42 =	vshll.u32 v20, $0x2  }
0xb7: {  	v20 =	vand.u32 $0x7, v20;
	v21 =	vand.u32 $0xFFFFFFE0, v42  }
0xb8: {  	v20 =	vor.u32 v20, v21  }
0xb9: {  	v21 =	vperm.xlane v20, v9;
	_ =	sdelay $0x1  }
0xba: {  	v21 =	vadd.s32 v10, v21;
	_ =	sdelay $0x1  }
0xbb: {  	v20 =	vperm.xlane v20, v11;
	_ =	sdelay $0x1  }
0xbc: {  	v20 =	vadd.s32 v10, v20  }
0xbd: {  	[tilespmem:s14], [sflag:$0x1] =	stream.indirect_vreg.gather [hbm4b:s1+s3], $0x80, v21, vm0, $0xb8;
	[tilespmem:$0x12180] =	vst v63  }
0xbe: {  	_ = 	snop  }
0xbf: {  	[tilespmem:s15], [sflag:$0x1] =	stream.indirect_vreg.gather [hbm4b:s4+s3], $0x80, v21, vm0, $0xb8;
	[tilespmem:$0x12180] =	vst v63  }
0xc0: {  	_ = 	snop  }
0xc1: {  	[tilespmem:s16], [sflag:$0x1] =	stream.indirect_vreg.gather [hbm4b:s1+s3], $0x80, v20, vm0, $0xb8;
	[tilespmem:$0x12180] =	vst v63  }
0xc2: {  	_ = 	snop  }
0xc3: {  	[tilespmem:s17], [sflag:$0x1] =	stream.indirect_vreg.gather [hbm4b:s4+s3], $0x80, v20, vm0, $0xb8;
	[tilespmem:$0x12180] =	vst v63  }
0xc4: {  	v20 =	vld [tilespmem:$0x20D0];
	_ =	sdelay $0x4  }
0xc5: {  	v43 =	vshll.u32 v20, $0x2  }
0xc6: {  	v20 =	vand.u32 $0x7, v20;
	v21 =	vand.u32 $0xFFFFFFE0, v43  }
0xc7: {  	v20 =	vor.u32 v20, v21  }
0xc8: {  	v21 =	vperm.xlane v20, v9;
	_ =	sdelay $0x1  }
0xc9: {  	v21 =	vadd.s32 v10, v21;
	_ =	sdelay $0x1  }
0xca: {  	v20 =	vperm.xlane v20, v11;
	_ =	sdelay $0x1  }
0xcb: {  	v20 =	vadd.s32 v10, v20  }
0xcc: {  	[tilespmem:s18], [sflag:$0x1] =	stream.indirect_vreg.gather [hbm4b:s1+s3], $0x80, v21, vm0, $0xb8;
	[tilespmem:$0x12180] =	vst v63  }
0xcd: {  	_ = 	snop  }
0xce: {  	[tilespmem:s19], [sflag:$0x1] =	stream.indirect_vreg.gather [hbm4b:s4+s3], $0x80, v21, vm0, $0xb8;
	[tilespmem:$0x12180] =	vst v63  }
0xcf: {  	_ = 	snop  }
0xd0: {  	[tilespmem:s20], [sflag:$0x1] =	stream.indirect_vreg.gather [hbm4b:s1+s3], $0x80, v20, vm0, $0xb8;
	[tilespmem:$0x12180] =	vst v63  }
0xd1: {  	_ = 	snop  }
0xd2: {  	[tilespmem:s21], [sflag:$0x1] =	stream.indirect_vreg.gather [hbm4b:s4+s3], $0x80, v20, vm0, $0xb8;
	[tilespmem:$0x12180] =	vst v63  }
0xd3: {  	v20 =	vld [tilespmem:$0x20E0];
	_ =	sdelay $0x4  }
0xd4: {  	v44 =	vshll.u32 v20, $0x2  }
0xd5: {  	v20 =	vand.u32 $0x7, v20;
	v21 =	vand.u32 $0xFFFFFFE0, v44  }
0xd6: {  	v20 =	vor.u32 v20, v21  }
0xd7: {  	v21 =	vperm.xlane v20, v9;
	_ =	sdelay $0x1  }
0xd8: {  	v21 =	vadd.s32 v10, v21;
	_ =	sdelay $0x1  }
0xd9: {  	v20 =	vperm.xlane v20, v11;
	_ =	sdelay $0x1  }
0xda: {  	v20 =	vadd.s32 v10, v20  }
0xdb: {  	[tilespmem:s22], [sflag:$0x1] =	stream.indirect_vreg.gather [hbm4b:s1+s3], $0x80, v21, vm0, $0xb8;
	[tilespmem:$0x12180] =	vst v63  }
0xdc: {  	_ = 	snop  }
0xdd: {  	[tilespmem:s23], [sflag:$0x1] =	stream.indirect_vreg.gather [hbm4b:s4+s3], $0x80, v21, vm0, $0xb8;
	[tilespmem:$0x12180] =	vst v63  }
0xde: {  	_ = 	snop  }
0xdf: {  	[tilespmem:s24], [sflag:$0x1] =	stream.indirect_vreg.gather [hbm4b:s1+s3], $0x80, v20, vm0, $0xb8;
	[tilespmem:$0x12180] =	vst v63  }
0xe0: {  	_ = 	snop  }
0xe1: {  	[tilespmem:s25], [sflag:$0x1] =	stream.indirect_vreg.gather [hbm4b:s4+s3], $0x80, v20, vm0, $0xb8;
	[tilespmem:$0x12180] =	vst v63  }
0xe2: {  	v20 =	vld [tilespmem:$0x20F0];
	_ =	sdelay $0x4  }
0xe3: {  	v45 =	vshll.u32 v20, $0x2  }
0xe4: {  	v20 =	vand.u32 $0x7, v20;
	v21 =	vand.u32 $0xFFFFFFE0, v45  }
0xe5: {  	v20 =	vor.u32 v20, v21  }
0xe6: {  	v21 =	vperm.xlane v20, v9;
	_ =	sdelay $0x1  }
0xe7: {  	v21 =	vadd.s32 v10, v21;
	_ =	sdelay $0x1  }
0xe8: {  	v20 =	vperm.xlane v20, v11;
	_ =	sdelay $0x1  }
0xe9: {  	v20 =	vadd.s32 v10, v20  }
0xea: {  	[tilespmem:s26], [sflag:$0x1] =	stream.indirect_vreg.gather [hbm4b:s1+s3], $0x80, v21, vm0, $0xb8;
	[tilespmem:$0x12180] =	vst v63  }
0xeb: {  	_ = 	snop  }
0xec: {  	[tilespmem:s28], [sflag:$0x1] =	stream.indirect_vreg.gather [hbm4b:s4+s3], $0x80, v21, vm0, $0xb8;
	[tilespmem:$0x12180] =	vst v63  }
0xed: {  	_ = 	snop  }
0xee: {  	[tilespmem:s29], [sflag:$0x1] =	stream.indirect_vreg.gather [hbm4b:s1+s3], $0x80, v20, vm0, $0xb8;
	[tilespmem:$0x12180] =	vst v63  }
0xef: {  	_ = 	snop  }
0xf0: {  	[tilespmem:s30], [sflag:$0x1] =	stream.indirect_vreg.gather [hbm4b:s4+s3], $0x80, v20, vm0, $0xb8;
	[tilespmem:$0x12180] =	vst v63  }
0xf1: {  	_ =	swait.ge [sflag:s7], $0x10000  }
0xf2: {  	[sflag:s7] =	ssyncset.done $0x0  }
0xf3: {  	[sflag:s7] =	ssyncadd.s32 $0xFFFF0000  }
0xf4: {  	v20 =	vld [tilespmem:$0x2000];
	_ =	sdelay $0x4  }
0xf5: {  	v46 =	vshll.u32 v20, $0x3  }
0xf6: {  	v47 =	vld [tilespmem:$0x2010];
	v20 =	vand.u32 $0x7F, v20;
	v21 =	vand.u32 $0xFFFFFC00, v46  }
0xf7: {  	v20 =	vor.u32 v20, v21  }
0xf8: {  	v20 =	vadd.s32 v12, v20;
	_ =	sdelay $0x2  }
0xf9: {  	v48 =	vshll.u32 v47, $0x3  }
0xfa: {  	v49 =	vld [tilespmem:$0x2020];
	v22 =	vand.u32 $0x7F, v47;
	v21 =	vand.u32 $0xFFFFFC00, v48  }
0xfb: {  	v21 =	vor.u32 v22, v21;
	v20 =	vld.idx.msk [tilespmem:v20+s8+$0x0], $0xffff  }
0xfc: {  	v21 =	vadd.s32 v13, v21;
	_ =	sdelay $0x2  }
0xfd: {  	v50 =	vshll.u32 v49, $0x3  }
0xfe: {  	v51 =	vld [tilespmem:$0x2030];
	v22 =	vand.u32 $0xFFFFFC00, v50;
	[tilespmem:$0x12100] =	vst v20;
	v20 =	vand.u32 $0x7F, v49  }
0xff: {  	v21 =	vld.idx.msk [tilespmem:v21+s8+$0x0], $0xffff;
	v20 =	vor.u32 v20, v22  }
0x100: {  	v20 =	vadd.s32 v14, v20;
	_ =	sdelay $0x2  }
0x101: {  	v52 =	vshll.u32 v51, $0x3  }
0x102: {  	v54 =	vld [tilespmem:$0x2040];
	v53 =	vand.u32 $0x7F, v51;
	v22 =	vand.u32 $0xFFFFFC00, v52;
	[tilespmem:$0x12110] =	vst v21  }
0x103: {  	v21 =	vor.u32 v53, v22;
	v20 =	vld.idx.msk [tilespmem:v20+s8+$0x0], $0xffff  }
0x104: {  	v21 =	vadd.s32 v15, v21;
	_ =	sdelay $0x2  }
0x105: {  	v55 =	vshll.u32 v54, $0x3  }
0x106: {  	v56 =	vld [tilespmem:$0x2050];
	v22 =	vand.u32 $0xFFFFFC00, v55;
	[tilespmem:$0x12120] =	vst v20;
	v20 =	vand.u32 $0x7F, v54  }
0x107: {  	v21 =	vld.idx.msk [tilespmem:v21+s8+$0x0], $0xffff;
	v20 =	vor.u32 v20, v22  }
0x108: {  	v20 =	vadd.s32 v16, v20;
	_ =	sdelay $0x2  }
0x109: {  	v57 =	vshll.u32 v56, $0x3  }
0x10a: {  	v59 =	vld [tilespmem:$0x2060];
	v58 =	vand.u32 $0x7F, v56;
	v22 =	vand.u32 $0xFFFFFC00, v57;
	[tilespmem:$0x12130] =	vst v21  }
0x10b: {  	v21 =	vor.u32 v58, v22;
	v20 =	vld.idx.msk [tilespmem:v20+s8+$0x0], $0xffff  }
0x10c: {  	v21 =	vadd.s32 v17, v21;
	_ =	sdelay $0x2  }
0x10d: {  	v60 =	vshll.u32 v59, $0x3  }
0x10e: {  	v61 =	vld [tilespmem:$0x2070];
	v22 =	vand.u32 $0xFFFFFC00, v60;
	[tilespmem:$0x12140] =	vst v20;
	v20 =	vand.u32 $0x7F, v59  }
0x10f: {  	v21 =	vld.idx.msk [tilespmem:v21+s8+$0x0], $0xffff;
	v20 =	vor.u32 v20, v22  }
0x110: {  	v20 =	vadd.s32 v18, v20;
	_ =	sdelay $0x2  }
0x111: {  	v62 =	vshll.u32 v61, $0x3  }
0x112: {  	v63 =	vand.u32 $0x7F, v61;
	v22 =	vand.u32 $0xFFFFFC00, v62;
	[tilespmem:$0x12150] =	vst v21  }
0x113: {  	v21 =	vor.u32 v63, v22;
	v20 =	vld.idx.msk [tilespmem:v20+s8+$0x0], $0xffff  }
0x114: {  	v21 =	vadd.s32 v19, v21;
	_ =	sdelay $0x3  }
0x115: {  	[tilespmem:$0x12160] =	vst v20  }
0x116: {  	v20 =	vld.idx.msk [tilespmem:v21+s8+$0x0], $0xffff;
	_ =	sdelay $0x3  }
0x117: {  	p0 =	sne.s32 s5, $0x1  }
.Ltmp0:
0x118: {  	s9 =	rddreg [dreg:$0x5];
	[tilespmem:$0x12170] =	vst v20;
	(pc) =	sbr.rel @p0 .LBB2_1-.Ltmp0, $4  }
0x119: {  	[hbm4b:s9+s3] =	stream.linear.scatter [tilespmem:s31], [sflag:$0x2], $0x80, $0x38;
	[tilespmem:$0x12180] =	vst v63  }
0x11a: {  	_ =	swait.ge [sflag:s2], $0x80  }
0x11b: {  	[sflag:s2] =	ssyncset.done $0x0  }
0x11c: {  	s5 =	sadd.s32 $0xFFFFFFFF, s5;
	[sflag:s2] =	ssyncadd.s32 $0xFFFFFF80  }
0x11d: {  	_ =	sfence.sel $0x180000  }
0x11e: {  	[bflag:$0x0] =	sbarrier.arrive $0xFFFF  }
0x11f: {  	_ =	strace $0x90000047  }
0x120: {  	s0 =	stileid.u32;
	[bflag:$0x2] =	sbarrier.arrive $0xFFFF  }
0x121: {  	p0 =	sne.s32 s0, $0x0;
	s0 =	rddreg [dreg:$0x2]  }
0x122: {  	s0 =	sadd.s32 @!p0 $0x100000, s0  }
0x123: {  	[sflag:s0] =	ssyncadd.tile.s32 @!p0 $0x1;
	_ =	shalt  }
.Lfunc_end2:
_tile_overlayer_lowered:
.L_overlay_start_2:
0x124: {  	(tag) =	ssettag $0x2  }
0x125: {  	s0 =	rddreg [dreg:$0x0];
	s2 =	stileid.u32  }
0x126: {  	s1 =	rddreg [dreg:$0x1];
	p0 =	sne.s32 s2, $0x0  }
0x127: {  	s3 =	rddreg [dreg:$0x2];
	[bflag:$0x3] =	sbarrier.arrive $0xFFFF;
	s2 =	simm.s32 @!p0 $0x1C02  }
0x128: {  	[timem:s3], [sflag:s2] =	dma.local @!p0 [hbm:s0], s1  }
0x129: {  	s0 =	simm.s32 @!p0 $0x2  }
0x12a: {  	_ =	swait.ge @!p0 [sflag:s0], s1  }
0x12b: {  	s1 =	ssub.s32 @!p0 $0x0, s1;
	[sflag:s0] =	ssyncset.done @!p0 $0x0  }
0x12c: {  	[sflag:s0] =	ssyncadd.s32 @!p0 s1  }
0x12d: {  	[bflag:$0x3] =	sbarrier.arrive $0xFFFF  }
0x12e: {  	_ =	shalt  }

</sc_bundles>
